<compile_context>
chip_gen: v7x
topology: tpu7x:2x2x1
jax: 0.10.2.dev20260603
libtpu: 0.0.44.dev20260713+nightly
codegen_flags: <defaults>
</compile_context>

<pallas_src>
import functools

import jax
import jax.numpy as jnp
from jax import lax
from jax.experimental import pallas as pl
from jax.experimental.pallas import tpu as pltpu
from jax.experimental.pallas import tpu_sc as plsc

H, D, K = 4096, 256, 8192
BETA = 0.25
N = 2 * 2048
BM = 256
NBLK = N // BM
KC = 1024
NKC = K // KC


def _vq_argmin_kernel(emb_ref, wpre_ref, bpre_ref, cb_ref,
                      z_ref, idx_ref, part_ref, e2_ref):
    @pl.when(pl.program_id(0) == 0)
    def _():
        cb = cb_ref[...]
        e2_ref[...] = jax.lax.dot_general(
            jnp.ones((1, D), jnp.float32), cb * cb,
            dimension_numbers=(((1,), (1,)), ((), ())),
            preferred_element_type=jnp.float32)
    z = jax.lax.dot_general(
        emb_ref[...], wpre_ref[...],
        dimension_numbers=(((1,), (1,)), ((), ())),
        preferred_element_type=jnp.float32)
    z = z + bpre_ref[...]
    z_ref[...] = z
    x2 = jnp.sum(z ** 2, axis=1, keepdims=True)
    z2 = z + z

    fiota = jax.lax.broadcasted_iota(jnp.int32, (BM, KC), 1).astype(jnp.float32)
    mvec = None
    ckvec = None
    for c in range(NKC):
        xe2 = jax.lax.dot_general(
            z2, cb_ref[pl.ds(c * KC, KC), :],
            dimension_numbers=(((1,), (1,)), ((), ())),
            preferred_element_type=jnp.float32)
        dist = (x2 + e2_ref[:, pl.ds(c * KC, KC)]) - xe2
        if c == 0:
            mvec = dist
            ckvec = jnp.zeros((BM, KC), jnp.float32)
        else:
            upd = dist < mvec
            mvec = jnp.where(upd, dist, mvec)
            ckvec = jnp.where(upd, jnp.float32(c * KC), ckvec)

    m = jnp.min(mvec, axis=1, keepdims=True)
    idxf = jnp.min(jnp.where(mvec == m, ckvec + fiota, jnp.float32(K)),
                   axis=1, keepdims=True)
    idx_ref[0, :, :] = idxf.astype(jnp.int32)

    sum_sq = jnp.sum(m)
    lane = jax.lax.broadcasted_iota(jnp.int32, (1, 128), 1)
    part_ref[0, ...] = jnp.where(lane == 0, sum_sq, 0.0)


def _post_kernel(z_ref, xq_ref, wpost_ref, bpost_ref, out_ref):
    z = z_ref[...]
    x_q = xq_ref[...]
    x_q_st = z + (x_q - z)
    out = jax.lax.dot_general(
        x_q_st, wpost_ref[...],
        dimension_numbers=(((1,), (1,)), ((), ())),
        preferred_element_type=jnp.float32)
    out_ref[...] = out + bpost_ref[...]


_SC_WORKERS = 32
_BPW = N // _SC_WORKERS


@functools.partial(
    pl.kernel,
    mesh=plsc.VectorSubcoreMesh(core_axis_name="c", subcore_axis_name="s"),
    out_type=jax.ShapeDtypeStruct((N, D), jnp.float32),
    scratch_types=[
        pltpu.VMEM((_BPW,), jnp.int32),
        pltpu.VMEM((_BPW, D), jnp.float32),
        pltpu.SemaphoreType.DMA,
    ],
)
def _sc_gather_kernel(table_hbm, idx_hbm, out_hbm, idx_v, rows_v, sem):
    wid = lax.axis_index("s") * 2 + lax.axis_index("c")
    base = wid * _BPW
    pltpu.sync_copy(idx_hbm.at[pl.ds(base, _BPW)], idx_v)
    pltpu.async_copy(table_hbm.at[idx_v], rows_v, sem).wait()
    pltpu.sync_copy(rows_v, out_hbm.at[pl.ds(base, _BPW)])


def kernel(embed, W_pre, b_pre, codebook, W_post, b_post, prior_logits):
    emb2d = embed.reshape(N, H)

    z, idx3, parts = pl.pallas_call(
        _vq_argmin_kernel,
        grid=(NBLK,),
        compiler_params=pltpu.CompilerParams(
            dimension_semantics=("arbitrary",)),
        in_specs=[
            pl.BlockSpec((BM, H), lambda i: (i, 0)),
            pl.BlockSpec((D, H), lambda i: (0, 0)),
            pl.BlockSpec((1, D), lambda i: (0, 0)),
            pl.BlockSpec((K, D), lambda i: (0, 0)),
        ],
        out_specs=[
            pl.BlockSpec((BM, D), lambda i: (i, 0)),
            pl.BlockSpec((1, BM, 1), lambda i: (i, 0, 0)),
            pl.BlockSpec((1, 1, 128), lambda i: (i, 0, 0)),
        ],
        out_shape=[
            jax.ShapeDtypeStruct((N, D), jnp.float32),
            jax.ShapeDtypeStruct((NBLK, BM, 1), jnp.int32),
            jax.ShapeDtypeStruct((NBLK, 1, 128), jnp.float32),
        ],
        scratch_shapes=[pltpu.VMEM((1, K), jnp.float32)],
    )(emb2d, W_pre, b_pre.reshape(1, D), codebook)
    idx = idx3.reshape(N)

    x_q = _sc_gather_kernel(codebook, idx)

    embed_hat2d = pl.pallas_call(
        _post_kernel,
        grid=(NBLK,),
        compiler_params=pltpu.CompilerParams(
            dimension_semantics=("parallel",)),
        in_specs=[
            pl.BlockSpec((BM, D), lambda i: (i, 0)),
            pl.BlockSpec((BM, D), lambda i: (i, 0)),
            pl.BlockSpec((H, D), lambda i: (0, 0)),
            pl.BlockSpec((1, H), lambda i: (0, 0)),
        ],
        out_specs=pl.BlockSpec((BM, H), lambda i: (i, 0)),
        out_shape=jax.ShapeDtypeStruct((N, H), jnp.float32),
    )(z, x_q, W_post, b_post.reshape(1, H))

    embed_hat = embed_hat2d.reshape(embed.shape)
    mean_sq = jnp.sum(parts[:, 0, 0]) / (N * D)
    vq_loss = mean_sq + BETA * mean_sq
    lse = jax.nn.logsumexp(prior_logits)
    sum_plog = jnp.sum(jnp.take(prior_logits, idx))
    rate_bits = (N * lse - sum_plog) / jnp.log(2.0)
    return (embed_hat, idx, rate_bits, vq_loss)

# --- scband reference (transcript-rebuilt; emitter-appended) ---
"""Pipeline reference for scband-semantic-vqcompressor-26439818674911 (READ-ONLY COPY).

The authoritative reference and input builder live on the scoring server;
editing this copy changes nothing except your own understanding.
"""

import jax, jax.numpy as jnp
import numpy as np

H, D, K = 4096, 256, 8192
BETA = 0.25

def setup_inputs(seed: int = 0) -> dict:
    key = jax.random.key(seed)
    ks = jax.random.split(key, 6)
    embed = jax.random.normal(ks[0], (2, 2048, H), dtype=jnp.float32)
    W_pre = jax.random.normal(ks[1], (D, H), dtype=jnp.float32) * (1.0 / np.sqrt(H))
    b_pre = jnp.zeros((D,), dtype=jnp.float32)
    codebook = jax.random.uniform(ks[2], (K, D), minval=-1.0 / K, maxval=1.0 / K, dtype=jnp.float32)
    W_post = jax.random.normal(ks[3], (H, D), dtype=jnp.float32) * (1.0 / np.sqrt(D))
    b_post = jnp.zeros((H,), dtype=jnp.float32)
    prior_logits = jnp.zeros((K,), dtype=jnp.float32)
    return {"embed": embed, "W_pre": W_pre, "b_pre": b_pre, "codebook": codebook, "W_post": W_post, "b_post": b_post, "prior_logits": prior_logits}

def reference(embed, W_pre, b_pre, codebook, W_post, b_post, prior_logits):
    # pre projection
    z = embed @ W_pre.T + b_pre
    d = z.shape[-1]
    x_flat = z.reshape(-1, d)
    # VQ nearest-codeword via expanded squared distance
    x2 = jnp.sum(x_flat ** 2, axis=1, keepdims=True)
    e2 = jnp.sum(codebook ** 2, axis=1)[None, :]
    xe = x_flat @ codebook.T
    dist = x2 + e2 - 2.0 * xe
    idx = jnp.argmin(dist, axis=1)
    x_q = jnp.take(codebook, idx, axis=0).reshape(z.shape)
    # straight-through estimator
    x_q_st = z + jax.lax.stop_gradient(x_q - z)
    loss_codebook = jnp.mean((x_q - jax.lax.stop_gradient(z)) ** 2)
    loss_commit = jnp.mean((z - jax.lax.stop_gradient(x_q)) ** 2)
    vq_loss = loss_codebook + BETA * loss_commit
    # post projection
    embed_hat = x_q_st @ W_post.T + b_post
    # rate estimate under learned prior
    logp = jax.nn.log_softmax(prior_logits, axis=0)
    rate_bits = jnp.mean(-jnp.take(logp, idx) / jnp.log(2.0)) * idx.size
    return (embed_hat, idx, rate_bits, vq_loss)

if __name__ == "__main__":
    import jax
    _d = setup_inputs()
    print(jax.jit(kernel)(*tuple(_d.values())))

</pallas_src>

<mosaic_0001>
#map = affine_map<(d0, d1) -> (0, 0)>
#map1 = affine_map<(d0, d1) -> (0)>
module attributes {stable_mosaic.version = 14 : i64} {
  func.func @_sc_gather_kernel(%arg0: i32, %arg1: i32, %arg2: memref<8192x256xf32, #tpu.memory_space<hbm>>, %arg3: memref<4096xi32, #tpu.memory_space<hbm>>, %arg4: memref<4096x256xf32, #tpu.memory_space<hbm>>, %arg5: memref<128xi32, #tpu.memory_space<vmem>>, %arg6: memref<128x256xf32, #tpu.memory_space<vmem>>, %arg7: memref<!tpu.dma_semaphore, #tpu.memory_space<semaphore_mem>>) attributes {dimension_semantics = [#tpu.dimension_semantics<core_parallel>, #tpu.dimension_semantics<subcore_parallel>], iteration_bounds = array<i64: 2, 16>, scalar_prefetch = 0 : i64, scratch_operands = 3 : i64, tpu.core_type = #tpu.core_type<sc_vector_subcore>, window_params = [{transform_indices = #map}, {transform_indices = #map1}, {transform_indices = #map}]} {
    %mul3A = arith.constant 2 : i32
    %mul3A_0 = arith.muli %arg1, %mul3A : i32
    %add3A = arith.addi %mul3A_0, %arg0 : i32
    %mul3A_1 = arith.constant 128 : i32
    %mul3A_2 = arith.muli %add3A, %mul3A_1 : i32
    "tpu.region"() ({
      %run_scoped3A = tpu.sem_alloc : memref<!tpu.dma_semaphore, #tpu.memory_space<semaphore_mem>>
      %dma_start3A_7 = tpu.memref_slice %arg3[%mul3A_2] : memref<4096xi32, #tpu.memory_space<hbm>> -> memref<128xi32, #tpu.memory_space<hbm>>
      %dma_start3A_8 = tpu.memref_slice %arg3[%mul3A_2] : memref<4096xi32, #tpu.memory_space<hbm>> -> memref<128xi32, #tpu.memory_space<hbm>>
      tpu.enqueue_dma source(%dma_start3A_8 : memref<128xi32, #tpu.memory_space<hbm>>) target(%arg5 : memref<128xi32, #tpu.memory_space<vmem>>) target_semaphore(%run_scoped3A : memref<!tpu.dma_semaphore, #tpu.memory_space<semaphore_mem>>)
      %dma_wait3A_9 = tpu.memref_slice %arg3[%mul3A_2] : memref<4096xi32, #tpu.memory_space<hbm>> -> memref<128xi32, #tpu.memory_space<hbm>>
      %dma_wait3A_10 = tpu.memref_slice %arg3[%mul3A_2] : memref<4096xi32, #tpu.memory_space<hbm>> -> memref<128xi32, #tpu.memory_space<hbm>>
      tpu.wait_dma2 semaphore(%run_scoped3A : memref<!tpu.dma_semaphore, #tpu.memory_space<semaphore_mem>>) src(%dma_wait3A_10 : memref<128xi32, #tpu.memory_space<hbm>>) dst(%arg5 : memref<128xi32, #tpu.memory_space<vmem>>)
      tpu.yield
    }) : () -> ()
    %dma_start3A = arith.constant 0 : i32
    %dma_start3A_3 = arith.constant 0 : i32
    %dma_start3A_4 = tpu.memref_slice %arg2[%dma_start3A, %dma_start3A_3] : memref<8192x256xf32, #tpu.memory_space<hbm>> -> memref<8192x256xf32, #tpu.memory_space<hbm>>
    tpu.enqueue_indirect_dma source(%dma_start3A_4 : memref<8192x256xf32, #tpu.memory_space<hbm>>) target(%arg6 : memref<128x256xf32, #tpu.memory_space<vmem>>) offsets(%arg5 : memref<128xi32, #tpu.memory_space<vmem>>) semaphore(%arg7 : memref<!tpu.dma_semaphore, #tpu.memory_space<semaphore_mem>>)
    %dma_wait3A = arith.constant 0 : i32
    %dma_wait3A_5 = arith.constant 0 : i32
    %dma_wait3A_6 = tpu.memref_slice %arg2[%dma_wait3A, %dma_wait3A_5] : memref<8192x256xf32, #tpu.memory_space<hbm>> -> memref<8192x256xf32, #tpu.memory_space<hbm>>
    tpu.wait_indirect_dma semaphore(%arg7 : memref<!tpu.dma_semaphore, #tpu.memory_space<semaphore_mem>>) src(%dma_wait3A_6 : memref<8192x256xf32, #tpu.memory_space<hbm>>) dst(%arg6 : memref<128x256xf32, #tpu.memory_space<vmem>>)
    "tpu.region"() ({
      %run_scoped3A = tpu.sem_alloc : memref<!tpu.dma_semaphore, #tpu.memory_space<semaphore_mem>>
      %dma_start3A_7 = arith.constant 0 : i32
      %dma_start3A_8 = tpu.memref_slice %arg4[%mul3A_2, %dma_start3A_7] : memref<4096x256xf32, #tpu.memory_space<hbm>> -> memref<128x256xf32, #tpu.memory_space<hbm>>
      %dma_start3A_9 = arith.constant 0 : i32
      %dma_start3A_10 = tpu.memref_slice %arg4[%mul3A_2, %dma_start3A_9] : memref<4096x256xf32, #tpu.memory_space<hbm>> -> memref<128x256xf32, #tpu.memory_space<hbm>>
      tpu.enqueue_dma source(%arg6 : memref<128x256xf32, #tpu.memory_space<vmem>>) target(%dma_start3A_10 : memref<128x256xf32, #tpu.memory_space<hbm>>) target_semaphore(%run_scoped3A : memref<!tpu.dma_semaphore, #tpu.memory_space<semaphore_mem>>)
      %dma_wait3A_11 = arith.constant 0 : i32
      %dma_wait3A_12 = tpu.memref_slice %arg4[%mul3A_2, %dma_wait3A_11] : memref<4096x256xf32, #tpu.memory_space<hbm>> -> memref<128x256xf32, #tpu.memory_space<hbm>>
      %dma_wait3A_13 = arith.constant 0 : i32
      %dma_wait3A_14 = tpu.memref_slice %arg4[%mul3A_2, %dma_wait3A_13] : memref<4096x256xf32, #tpu.memory_space<hbm>> -> memref<128x256xf32, #tpu.memory_space<hbm>>
      tpu.wait_dma2 semaphore(%run_scoped3A : memref<!tpu.dma_semaphore, #tpu.memory_space<semaphore_mem>>) src(%arg6 : memref<128x256xf32, #tpu.memory_space<vmem>>) dst(%dma_wait3A_14 : memref<128x256xf32, #tpu.memory_space<hbm>>)
      tpu.yield
    }) : () -> ()
    return
  }
}

module attributes {stable_mosaic.version = 14 : i64} {
  func.func @_vq_argmin_kernel(%arg0: i32, %arg1: memref<256x4096xf32, #tpu.memory_space<vmem>>, %arg2: memref<256x4096xf32, #tpu.memory_space<vmem>>, %arg3: memref<1x256xf32, #tpu.memory_space<vmem>>, %arg4: memref<8192x256xf32, #tpu.memory_space<vmem>>, %arg5: memref<256x256xf32, #tpu.memory_space<vmem>>, %arg6: memref<1x256x1xi32, #tpu.memory_space<vmem>>, %arg7: memref<1x1x128xf32, #tpu.memory_space<vmem>>, %arg8: memref<1x8192xf32, #tpu.memory_space<vmem>>) attributes {dimension_semantics = [#tpu.dimension_semantics<arbitrary>], iteration_bounds = array<i64: 16>, scalar_prefetch = 0 : i64, scratch_operands = 1 : i64, tpu.core_type = #tpu.core_type<tc>, window_params = [{transform_indices = @transform_0, window_bounds = array<i64: 256, 4096>}, {pipeline_mode = #tpu.pipeline_mode<synchronous>, transform_indices = @transform_1, window_bounds = array<i64: 256, 4096>}, {pipeline_mode = #tpu.pipeline_mode<synchronous>, transform_indices = @transform_2, window_bounds = array<i64: 1, 256>}, {pipeline_mode = #tpu.pipeline_mode<synchronous>, transform_indices = @transform_3, window_bounds = array<i64: 8192, 256>}, {transform_indices = @transform_4, window_bounds = array<i64: 256, 256>}, {transform_indices = @transform_5, window_bounds = array<i64: 1, 256, 1>}, {transform_indices = @transform_6, window_bounds = array<i64: 1, 1, 128>}]} {
    %eq3A = arith.constant 0 : i32
    %eq3A_0 = arith.cmpi eq, %arg0, %eq3A : i32
    %convert_element_type3A = arith.extui %eq3A_0 : i1 to i32
    %cond3A = arith.constant 0 : i32
    %cond3A_1 = arith.cmpi ne, %convert_element_type3A, %cond3A : i32
    scf.if %cond3A_1 {
      %get3A_183 = arith.constant 0 : index
      %get3A_184 = arith.constant 0 : index
      %get3A_185 = vector.load %arg4[%get3A_183, %get3A_184] : memref<8192x256xf32, #tpu.memory_space<vmem>>, vector<8192x256xf32>
      %broadcast_in_dim3A_186 = arith.constant 1.000000e+00 : f32
      %broadcast_in_dim3A_187 = vector.broadcast %broadcast_in_dim3A_186 : f32 to vector<1x256xf32>
      %mul3A = arith.mulf %get3A_185, %get3A_185 : vector<8192x256xf32>
      %dot_general3A_188 = arith.constant dense<0.000000e+00> : vector<1x8192xf32>
      %dot_general3A_189 = tpu.matmul %broadcast_in_dim3A_187, %mul3A, %dot_general3A_188 {dimension_numbers = #tpu.dot_dimension_numbers<[1], [1], [0], [0], [0, 0, 1, 0], [], []>, transpose_lhs_hint = false} : vector<1x256xf32>, vector<8192x256xf32>, vector<1x8192xf32> -> vector<1x8192xf32>
      %swap3A_190 = arith.constant 0 : index
      %swap3A_191 = arith.constant 0 : index
      %swap3A_192 = vector.load %arg8[%swap3A_190, %swap3A_191] : memref<1x8192xf32, #tpu.memory_space<vmem>>, vector<1x8192xf32>
      tpu.vector_store %arg8[%swap3A_190, %swap3A_191], %dot_general3A_189 {strides = array<i32>} : memref<1x8192xf32, #tpu.memory_space<vmem>>, vector<1x8192xf32>,
    } else {
    }
    %get3A = arith.constant 0 : index
    %get3A_2 = arith.constant 0 : index
    %get3A_3 = vector.load %arg1[%get3A, %get3A_2] : memref<256x4096xf32, #tpu.memory_space<vmem>>, vector<256x4096xf32>
    %get3A_4 = arith.constant 0 : index
    %get3A_5 = arith.constant 0 : index
    %get3A_6 = vector.load %arg2[%get3A_4, %get3A_5] : memref<256x4096xf32, #tpu.memory_space<vmem>>, vector<256x4096xf32>
    %dot_general3A = arith.constant dense<0.000000e+00> : vector<256x256xf32>
    %dot_general3A_7 = tpu.matmul %get3A_3, %get3A_6, %dot_general3A {dimension_numbers = #tpu.dot_dimension_numbers<[1], [1], [0], [0], [0, 0, 1, 0], [], []>, transpose_lhs_hint = false} : vector<256x4096xf32>, vector<256x4096xf32>, vector<256x256xf32> -> vector<256x256xf32>
    %get3A_8 = arith.constant 0 : index
    %get3A_9 = arith.constant 0 : index
    %get3A_10 = vector.load %arg3[%get3A_8, %get3A_9] : memref<1x256xf32, #tpu.memory_space<vmem>>, vector<1x256xf32>
    %add3A = vector.broadcast %get3A_10 : vector<1x256xf32> to vector<256x256xf32>
    %add3A_11 = arith.addf %dot_general3A_7, %add3A : vector<256x256xf32>
    %swap3A = arith.constant 0 : index
    %swap3A_12 = arith.constant 0 : index
    %swap3A_13 = vector.load %arg5[%swap3A, %swap3A_12] : memref<256x256xf32, #tpu.memory_space<vmem>>, vector<256x256xf32>
    tpu.vector_store %arg5[%swap3A, %swap3A_12], %add3A_11 {strides = array<i32>} : memref<256x256xf32, #tpu.memory_space<vmem>>, vector<256x256xf32>,
    %integer_pow3A = arith.mulf %add3A_11, %add3A_11 : vector<256x256xf32>
    %reduce_sum3A = arith.constant dense<0.000000e+00> : vector<256xf32>
    %reduce_sum3A_14 = vector.multi_reduction <add>, %integer_pow3A, %reduce_sum3A [1] : vector<256x256xf32> to vector<256xf32>
    %broadcast_in_dim3A = vector.shape_cast %reduce_sum3A_14 : vector<256xf32> to vector<256x1xf32>
    %add3A_15 = arith.addf %add3A_11, %add3A_11 : vector<256x256xf32>
    %iota3A = tpu.iota {dimensions = array<i32: 1>} : vector<256x1024xi32>
    %convert_element_type3A_16 = arith.sitofp %iota3A : vector<256x1024xi32> to vector<256x1024xf32>
    %get3A_17 = arith.constant 0 : index
    %get3A_18 = arith.constant 0 : index
    %get3A_19 = vector.load %arg4[%get3A_17, %get3A_18] : memref<8192x256xf32, #tpu.memory_space<vmem>>, vector<1024x256xf32>
    %dot_general3A_20 = arith.constant dense<0.000000e+00> : vector<256x1024xf32>
    %dot_general3A_21 = tpu.matmul %add3A_15, %get3A_19, %dot_general3A_20 {dimension_numbers = #tpu.dot_dimension_numbers<[1], [1], [0], [0], [0, 0, 1, 0], [], []>, transpose_lhs_hint = false} : vector<256x256xf32>, vector<1024x256xf32>, vector<256x1024xf32> -> vector<256x1024xf32>
    %get3A_22 = arith.constant 0 : index
    %get3A_23 = arith.constant 0 : index
    %get3A_24 = vector.load %arg8[%get3A_22, %get3A_23] : memref<1x8192xf32, #tpu.memory_space<vmem>>, vector<1x1024xf32>
    %add3A_25 = vector.broadcast %broadcast_in_dim3A : vector<256x1xf32> to vector<256x1024xf32>
    %add3A_26 = vector.broadcast %get3A_24 : vector<1x1024xf32> to vector<256x1024xf32>
    %add3A_27 = arith.addf %add3A_25, %add3A_26 : vector<256x1024xf32>
    %sub3A = arith.subf %add3A_27, %dot_general3A_21 : vector<256x1024xf32>
    %broadcast_in_dim3A_28 = arith.constant 0.000000e+00 : f32
    %broadcast_in_dim3A_29 = vector.broadcast %broadcast_in_dim3A_28 : f32 to vector<256x1024xf32>
    %get3A_30 = arith.constant 1024 : index
    %get3A_31 = arith.constant 0 : index
    %get3A_32 = vector.load %arg4[%get3A_30, %get3A_31] : memref<8192x256xf32, #tpu.memory_space<vmem>>, vector<1024x256xf32>
    %dot_general3A_33 = arith.constant dense<0.000000e+00> : vector<256x1024xf32>
    %dot_general3A_34 = tpu.matmul %add3A_15, %get3A_32, %dot_general3A_33 {dimension_numbers = #tpu.dot_dimension_numbers<[1], [1], [0], [0], [0, 0, 1, 0], [], []>, transpose_lhs_hint = false} : vector<256x256xf32>, vector<1024x256xf32>, vector<256x1024xf32> -> vector<256x1024xf32>
    %get3A_35 = arith.constant 0 : index
    %get3A_36 = arith.constant 1024 : index
    %get3A_37 = vector.load %arg8[%get3A_35, %get3A_36] : memref<1x8192xf32, #tpu.memory_space<vmem>>, vector<1x1024xf32>
    %add3A_38 = vector.broadcast %broadcast_in_dim3A : vector<256x1xf32> to vector<256x1024xf32>
    %add3A_39 = vector.broadcast %get3A_37 : vector<1x1024xf32> to vector<256x1024xf32>
    %add3A_40 = arith.addf %add3A_38, %add3A_39 : vector<256x1024xf32>
    %sub3A_41 = arith.subf %add3A_40, %dot_general3A_34 : vector<256x1024xf32>
    %lt3A = arith.cmpf olt, %sub3A_41, %sub3A : vector<256x1024xf32>
    %select_n3A = arith.select %lt3A, %sub3A_41, %sub3A : vector<256x1024xi1>, vector<256x1024xf32>
    %jit3A = arith.constant 1.024000e+03 : f32
    %broadcast_in_dim3A_42 = vector.broadcast %jit3A : f32 to vector<256x1024xf32>
    %select_n3A_43 = arith.select %lt3A, %broadcast_in_dim3A_42, %broadcast_in_dim3A_29 : vector<256x1024xi1>, vector<256x1024xf32>
    %get3A_44 = arith.constant 2048 : index
    %get3A_45 = arith.constant 0 : index
    %get3A_46 = vector.load %arg4[%get3A_44, %get3A_45] : memref<8192x256xf32, #tpu.memory_space<vmem>>, vector<1024x256xf32>
    %dot_general3A_47 = arith.constant dense<0.000000e+00> : vector<256x1024xf32>
    %dot_general3A_48 = tpu.matmul %add3A_15, %get3A_46, %dot_general3A_47 {dimension_numbers = #tpu.dot_dimension_numbers<[1], [1], [0], [0], [0, 0, 1, 0], [], []>, transpose_lhs_hint = false} : vector<256x256xf32>, vector<1024x256xf32>, vector<256x1024xf32> -> vector<256x1024xf32>
    %get3A_49 = arith.constant 0 : index
    %get3A_50 = arith.constant 2048 : index
    %get3A_51 = vector.load %arg8[%get3A_49, %get3A_50] : memref<1x8192xf32, #tpu.memory_space<vmem>>, vector<1x1024xf32>
    %add3A_52 = vector.broadcast %broadcast_in_dim3A : vector<256x1xf32> to vector<256x1024xf32>
    %add3A_53 = vector.broadcast %get3A_51 : vector<1x1024xf32> to vector<256x1024xf32>
    %add3A_54 = arith.addf %add3A_52, %add3A_53 : vector<256x1024xf32>
    %sub3A_55 = arith.subf %add3A_54, %dot_general3A_48 : vector<256x1024xf32>
    %lt3A_56 = arith.cmpf olt, %sub3A_55, %select_n3A : vector<256x1024xf32>
    %select_n3A_57 = arith.select %lt3A_56, %sub3A_55, %select_n3A : vector<256x1024xi1>, vector<256x1024xf32>
    %jit3A_58 = arith.constant 2.048000e+03 : f32
    %broadcast_in_dim3A_59 = vector.broadcast %jit3A_58 : f32 to vector<256x1024xf32>
    %select_n3A_60 = arith.select %lt3A_56, %broadcast_in_dim3A_59, %select_n3A_43 : vector<256x1024xi1>, vector<256x1024xf32>
    %get3A_61 = arith.constant 3072 : index
    %get3A_62 = arith.constant 0 : index
    %get3A_63 = vector.load %arg4[%get3A_61, %get3A_62] : memref<8192x256xf32, #tpu.memory_space<vmem>>, vector<1024x256xf32>
    %dot_general3A_64 = arith.constant dense<0.000000e+00> : vector<256x1024xf32>
    %dot_general3A_65 = tpu.matmul %add3A_15, %get3A_63, %dot_general3A_64 {dimension_numbers = #tpu.dot_dimension_numbers<[1], [1], [0], [0], [0, 0, 1, 0], [], []>, transpose_lhs_hint = false} : vector<256x256xf32>, vector<1024x256xf32>, vector<256x1024xf32> -> vector<256x1024xf32>
    %get3A_66 = arith.constant 0 : index
    %get3A_67 = arith.constant 3072 : index
    %get3A_68 = vector.load %arg8[%get3A_66, %get3A_67] : memref<1x8192xf32, #tpu.memory_space<vmem>>, vector<1x1024xf32>
    %add3A_69 = vector.broadcast %broadcast_in_dim3A : vector<256x1xf32> to vector<256x1024xf32>
    %add3A_70 = vector.broadcast %get3A_68 : vector<1x1024xf32> to vector<256x1024xf32>
    %add3A_71 = arith.addf %add3A_69, %add3A_70 : vector<256x1024xf32>
    %sub3A_72 = arith.subf %add3A_71, %dot_general3A_65 : vector<256x1024xf32>
    %lt3A_73 = arith.cmpf olt, %sub3A_72, %select_n3A_57 : vector<256x1024xf32>
    %select_n3A_74 = arith.select %lt3A_73, %sub3A_72, %select_n3A_57 : vector<256x1024xi1>, vector<256x1024xf32>
    %jit3A_75 = arith.constant 3.072000e+03 : f32
    %broadcast_in_dim3A_76 = vector.broadcast %jit3A_75 : f32 to vector<256x1024xf32>
    %select_n3A_77 = arith.select %lt3A_73, %broadcast_in_dim3A_76, %select_n3A_60 : vector<256x1024xi1>, vector<256x1024xf32>
    %get3A_78 = arith.constant 4096 : index
    %get3A_79 = arith.constant 0 : index
    %get3A_80 = vector.load %arg4[%get3A_78, %get3A_79] : memref<8192x256xf32, #tpu.memory_space<vmem>>, vector<1024x256xf32>
    %dot_general3A_81 = arith.constant dense<0.000000e+00> : vector<256x1024xf32>
    %dot_general3A_82 = tpu.matmul %add3A_15, %get3A_80, %dot_general3A_81 {dimension_numbers = #tpu.dot_dimension_numbers<[1], [1], [0], [0], [0, 0, 1, 0], [], []>, transpose_lhs_hint = false} : vector<256x256xf32>, vector<1024x256xf32>, vector<256x1024xf32> -> vector<256x1024xf32>
    %get3A_83 = arith.constant 0 : index
    %get3A_84 = arith.constant 4096 : index
    %get3A_85 = vector.load %arg8[%get3A_83, %get3A_84] : memref<1x8192xf32, #tpu.memory_space<vmem>>, vector<1x1024xf32>
    %add3A_86 = vector.broadcast %broadcast_in_dim3A : vector<256x1xf32> to vector<256x1024xf32>
    %add3A_87 = vector.broadcast %get3A_85 : vector<1x1024xf32> to vector<256x1024xf32>
    %add3A_88 = arith.addf %add3A_86, %add3A_87 : vector<256x1024xf32>
    %sub3A_89 = arith.subf %add3A_88, %dot_general3A_82 : vector<256x1024xf32>
    %lt3A_90 = arith.cmpf olt, %sub3A_89, %select_n3A_74 : vector<256x1024xf32>
    %select_n3A_91 = arith.select %lt3A_90, %sub3A_89, %select_n3A_74 : vector<256x1024xi1>, vector<256x1024xf32>
    %jit3A_92 = arith.constant 4.096000e+03 : f32
    %broadcast_in_dim3A_93 = vector.broadcast %jit3A_92 : f32 to vector<256x1024xf32>
    %select_n3A_94 = arith.select %lt3A_90, %broadcast_in_dim3A_93, %select_n3A_77 : vector<256x1024xi1>, vector<256x1024xf32>
    %get3A_95 = arith.constant 5120 : index
    %get3A_96 = arith.constant 0 : index
    %get3A_97 = vector.load %arg4[%get3A_95, %get3A_96] : memref<8192x256xf32, #tpu.memory_space<vmem>>, vector<1024x256xf32>
    %dot_general3A_98 = arith.constant dense<0.000000e+00> : vector<256x1024xf32>
    %dot_general3A_99 = tpu.matmul %add3A_15, %get3A_97, %dot_general3A_98 {dimension_numbers = #tpu.dot_dimension_numbers<[1], [1], [0], [0], [0, 0, 1, 0], [], []>, transpose_lhs_hint = false} : vector<256x256xf32>, vector<1024x256xf32>, vector<256x1024xf32> -> vector<256x1024xf32>
    %get3A_100 = arith.constant 0 : index
    %get3A_101 = arith.constant 5120 : index
    %get3A_102 = vector.load %arg8[%get3A_100, %get3A_101] : memref<1x8192xf32, #tpu.memory_space<vmem>>, vector<1x1024xf32>
    %add3A_103 = vector.broadcast %broadcast_in_dim3A : vector<256x1xf32> to vector<256x1024xf32>
    %add3A_104 = vector.broadcast %get3A_102 : vector<1x1024xf32> to vector<256x1024xf32>
    %add3A_105 = arith.addf %add3A_103, %add3A_104 : vector<256x1024xf32>
    %sub3A_106 = arith.subf %add3A_105, %dot_general3A_99 : vector<256x1024xf32>
    %lt3A_107 = arith.cmpf olt, %sub3A_106, %select_n3A_91 : vector<256x1024xf32>
    %select_n3A_108 = arith.select %lt3A_107, %sub3A_106, %select_n3A_91 : vector<256x1024xi1>, vector<256x1024xf32>
    %jit3A_109 = arith.constant 5.120000e+03 : f32
    %broadcast_in_dim3A_110 = vector.broadcast %jit3A_109 : f32 to vector<256x1024xf32>
    %select_n3A_111 = arith.select %lt3A_107, %broadcast_in_dim3A_110, %select_n3A_94 : vector<256x1024xi1>, vector<256x1024xf32>
    %get3A_112 = arith.constant 6144 : index
    %get3A_113 = arith.constant 0 : index
    %get3A_114 = vector.load %arg4[%get3A_112, %get3A_113] : memref<8192x256xf32, #tpu.memory_space<vmem>>, vector<1024x256xf32>
    %dot_general3A_115 = arith.constant dense<0.000000e+00> : vector<256x1024xf32>
    %dot_general3A_116 = tpu.matmul %add3A_15, %get3A_114, %dot_general3A_115 {dimension_numbers = #tpu.dot_dimension_numbers<[1], [1], [0], [0], [0, 0, 1, 0], [], []>, transpose_lhs_hint = false} : vector<256x256xf32>, vector<1024x256xf32>, vector<256x1024xf32> -> vector<256x1024xf32>
    %get3A_117 = arith.constant 0 : index
    %get3A_118 = arith.constant 6144 : index
    %get3A_119 = vector.load %arg8[%get3A_117, %get3A_118] : memref<1x8192xf32, #tpu.memory_space<vmem>>, vector<1x1024xf32>
    %add3A_120 = vector.broadcast %broadcast_in_dim3A : vector<256x1xf32> to vector<256x1024xf32>
    %add3A_121 = vector.broadcast %get3A_119 : vector<1x1024xf32> to vector<256x1024xf32>
    %add3A_122 = arith.addf %add3A_120, %add3A_121 : vector<256x1024xf32>
    %sub3A_123 = arith.subf %add3A_122, %dot_general3A_116 : vector<256x1024xf32>
    %lt3A_124 = arith.cmpf olt, %sub3A_123, %select_n3A_108 : vector<256x1024xf32>
    %select_n3A_125 = arith.select %lt3A_124, %sub3A_123, %select_n3A_108 : vector<256x1024xi1>, vector<256x1024xf32>
    %jit3A_126 = arith.constant 6.144000e+03 : f32
    %broadcast_in_dim3A_127 = vector.broadcast %jit3A_126 : f32 to vector<256x1024xf32>
    %select_n3A_128 = arith.select %lt3A_124, %broadcast_in_dim3A_127, %select_n3A_111 : vector<256x1024xi1>, vector<256x1024xf32>
    %get3A_129 = arith.constant 7168 : index
    %get3A_130 = arith.constant 0 : index
    %get3A_131 = vector.load %arg4[%get3A_129, %get3A_130] : memref<8192x256xf32, #tpu.memory_space<vmem>>, vector<1024x256xf32>
    %dot_general3A_132 = arith.constant dense<0.000000e+00> : vector<256x1024xf32>
    %dot_general3A_133 = tpu.matmul %add3A_15, %get3A_131, %dot_general3A_132 {dimension_numbers = #tpu.dot_dimension_numbers<[1], [1], [0], [0], [0, 0, 1, 0], [], []>, transpose_lhs_hint = false} : vector<256x256xf32>, vector<1024x256xf32>, vector<256x1024xf32> -> vector<256x1024xf32>
    %get3A_134 = arith.constant 0 : index
    %get3A_135 = arith.constant 7168 : index
    %get3A_136 = vector.load %arg8[%get3A_134, %get3A_135] : memref<1x8192xf32, #tpu.memory_space<vmem>>, vector<1x1024xf32>
    %add3A_137 = vector.broadcast %broadcast_in_dim3A : vector<256x1xf32> to vector<256x1024xf32>
    %add3A_138 = vector.broadcast %get3A_136 : vector<1x1024xf32> to vector<256x1024xf32>
    %add3A_139 = arith.addf %add3A_137, %add3A_138 : vector<256x1024xf32>
    %sub3A_140 = arith.subf %add3A_139, %dot_general3A_133 : vector<256x1024xf32>
    %lt3A_141 = arith.cmpf olt, %sub3A_140, %select_n3A_125 : vector<256x1024xf32>
    %select_n3A_142 = arith.select %lt3A_141, %sub3A_140, %select_n3A_125 : vector<256x1024xi1>, vector<256x1024xf32>
    %jit3A_143 = arith.constant 7.168000e+03 : f32
    %broadcast_in_dim3A_144 = vector.broadcast %jit3A_143 : f32 to vector<256x1024xf32>
    %select_n3A_145 = arith.select %lt3A_141, %broadcast_in_dim3A_144, %select_n3A_128 : vector<256x1024xi1>, vector<256x1024xf32>
    %reduce_min3A = arith.constant dense<0x7F800000> : vector<256xf32>
    %reduce_min3A_146 = vector.multi_reduction <minimumf>, %select_n3A_142, %reduce_min3A [1] : vector<256x1024xf32> to vector<256xf32>
    %broadcast_in_dim3A_147 = vector.shape_cast %reduce_min3A_146 : vector<256xf32> to vector<256x1xf32>
    %eq3A_148 = vector.broadcast %broadcast_in_dim3A_147 : vector<256x1xf32> to vector<256x1024xf32>
    %eq3A_149 = arith.cmpf oeq, %select_n3A_142, %eq3A_148 : vector<256x1024xf32>
    %add3A_150 = arith.addf %select_n3A_145, %convert_element_type3A_16 : vector<256x1024xf32>
    %jit3A_151 = arith.constant 8.192000e+03 : f32
    %broadcast_in_dim3A_152 = vector.broadcast %jit3A_151 : f32 to vector<256x1024xf32>
    %select_n3A_153 = arith.select %eq3A_149, %add3A_150, %broadcast_in_dim3A_152 : vector<256x1024xi1>, vector<256x1024xf32>
    %reduce_min3A_154 = arith.constant dense<0x7F800000> : vector<256xf32>
    %reduce_min3A_155 = vector.multi_reduction <minimumf>, %select_n3A_153, %reduce_min3A_154 [1] : vector<256x1024xf32> to vector<256xf32>
    %broadcast_in_dim3A_156 = vector.shape_cast %reduce_min3A_155 : vector<256xf32> to vector<256x1xf32>
    %convert_element_type3A_157 = arith.fptosi %broadcast_in_dim3A_156 : vector<256x1xf32> to vector<256x1xi32>
    %swap3A_158 = arith.constant 0 : index
    %swap3A_159 = arith.constant 0 : index
    %swap3A_160 = arith.constant 0 : index
    %swap3A_161 = vector.load %arg6[%swap3A_158, %swap3A_159, %swap3A_160] : memref<1x256x1xi32, #tpu.memory_space<vmem>>, vector<1x256x1xi32>
    %swap3A_162 = vector.shape_cast %swap3A_161 : vector<1x256x1xi32> to vector<256x1xi32>
    %swap3A_163 = vector.shape_cast %convert_element_type3A_157 : vector<256x1xi32> to vector<1x256x1xi32>
    tpu.vector_store %arg6[%swap3A_158, %swap3A_159, %swap3A_160], %swap3A_163 {strides = array<i32>} : memref<1x256x1xi32, #tpu.memory_space<vmem>>, vector<1x256x1xi32>,
    %reduce_sum3A_164 = vector.shape_cast %broadcast_in_dim3A_147 : vector<256x1xf32> to vector<1x256x1xf32>
    %reduce_sum3A_165 = arith.constant dense<0.000000e+00> : vector<1xf32>
    %reduce_sum3A_166 = vector.multi_reduction <add>, %reduce_sum3A_164, %reduce_sum3A_165 [1, 2] : vector<1x256x1xf32> to vector<1xf32>
    %reduce_sum3A_167 = vector.shape_cast %reduce_sum3A_166 : vector<1xf32> to vector<1x1x1xf32>
    %reduce_sum3A_168 = vector.extract %reduce_sum3A_167[0, 0, 0] : f32 from vector<1x1x1xf32>
    %iota3A_169 = tpu.iota {dimensions = array<i32: 1>} : vector<1x128xi32>
    %eq3A_170 = arith.constant 0 : i32
    %eq3A_171 = vector.broadcast %eq3A_170 : i32 to vector<1x128xi32>
    %eq3A_172 = arith.cmpi eq, %iota3A_169, %eq3A_171 : vector<1x128xi32>
    %jit3A_173 = arith.constant 0.000000e+00 : f32
    %broadcast_in_dim3A_174 = vector.broadcast %reduce_sum3A_168 : f32 to vector<1x128xf32>
    %broadcast_in_dim3A_175 = vector.broadcast %jit3A_173 : f32 to vector<1x128xf32>
    %select_n3A_176 = arith.select %eq3A_172, %broadcast_in_dim3A_174, %broadcast_in_dim3A_175 : vector<1x128xi1>, vector<1x128xf32>
    %swap3A_177 = arith.constant 0 : index
    %swap3A_178 = arith.constant 0 : index
    %swap3A_179 = arith.constant 0 : index
    %swap3A_180 = vector.load %arg7[%swap3A_177, %swap3A_178, %swap3A_179] : memref<1x1x128xf32, #tpu.memory_space<vmem>>, vector<1x1x128xf32>
    %swap3A_181 = vector.shape_cast %swap3A_180 : vector<1x1x128xf32> to vector<1x128xf32>
    %swap3A_182 = vector.shape_cast %select_n3A_176 : vector<1x128xf32> to vector<1x1x128xf32>
    tpu.vector_store %arg7[%swap3A_177, %swap3A_178, %swap3A_179], %swap3A_182 {strides = array<i32>} : memref<1x1x128xf32, #tpu.memory_space<vmem>>, vector<1x1x128xf32>,
    return
  }
  func.func @transform_0(%arg0: i32) -> (i32, i32) {
    %c0_i32 = arith.constant 0 : i32
    %c0_i32_0 = arith.constant 0 : i32
    return %arg0, %c0_i32 : i32, i32
  }
  func.func @transform_1(%arg0: i32) -> (i32, i32) {
    %c0_i32 = arith.constant 0 : i32
    %c0_i32_0 = arith.constant 0 : i32
    %c0_i32_1 = arith.constant 0 : i32
    return %c0_i32, %c0_i32_0 : i32, i32
  }
  func.func @transform_2(%arg0: i32) -> (i32, i32) {
    %c0_i32 = arith.constant 0 : i32
    %c0_i32_0 = arith.constant 0 : i32
    %c0_i32_1 = arith.constant 0 : i32
    return %c0_i32, %c0_i32_0 : i32, i32
  }
  func.func @transform_3(%arg0: i32) -> (i32, i32) {
    %c0_i32 = arith.constant 0 : i32
    %c0_i32_0 = arith.constant 0 : i32
    %c0_i32_1 = arith.constant 0 : i32
    return %c0_i32, %c0_i32_0 : i32, i32
  }
  func.func @transform_4(%arg0: i32) -> (i32, i32) {
    %c0_i32 = arith.constant 0 : i32
    %c0_i32_0 = arith.constant 0 : i32
    return %arg0, %c0_i32 : i32, i32
  }
  func.func @transform_5(%arg0: i32) -> (i32, i32, i32) {
    %c0_i32 = arith.constant 0 : i32
    %c0_i32_0 = arith.constant 0 : i32
    %c0_i32_1 = arith.constant 0 : i32
    return %arg0, %c0_i32, %c0_i32_0 : i32, i32, i32
  }
  func.func @transform_6(%arg0: i32) -> (i32, i32, i32) {
    %c0_i32 = arith.constant 0 : i32
    %c0_i32_0 = arith.constant 0 : i32
    %c0_i32_1 = arith.constant 0 : i32
    return %arg0, %c0_i32, %c0_i32_0 : i32, i32, i32
  }
}

module attributes {stable_mosaic.version = 14 : i64} {
  func.func @_post_kernel(%arg0: i32, %arg1: memref<256x256xf32, #tpu.memory_space<vmem>>, %arg2: memref<256x256xf32, #tpu.memory_space<vmem>>, %arg3: memref<4096x256xf32, #tpu.memory_space<vmem>>, %arg4: memref<1x4096xf32, #tpu.memory_space<vmem>>, %arg5: memref<256x4096xf32, #tpu.memory_space<vmem>>) attributes {dimension_semantics = [#tpu.dimension_semantics<parallel>], iteration_bounds = array<i64: 16>, scalar_prefetch = 0 : i64, scratch_operands = 0 : i64, tpu.core_type = #tpu.core_type<tc>, window_params = [{transform_indices = @transform_0, window_bounds = array<i64: 256, 256>}, {transform_indices = @transform_1, window_bounds = array<i64: 256, 256>}, {pipeline_mode = #tpu.pipeline_mode<synchronous>, transform_indices = @transform_2, window_bounds = array<i64: 4096, 256>}, {pipeline_mode = #tpu.pipeline_mode<synchronous>, transform_indices = @transform_3, window_bounds = array<i64: 1, 4096>}, {transform_indices = @transform_4, window_bounds = array<i64: 256, 4096>}]} {
    %get3A = arith.constant 0 : index
    %get3A_0 = arith.constant 0 : index
    %get3A_1 = vector.load %arg1[%get3A, %get3A_0] : memref<256x256xf32, #tpu.memory_space<vmem>>, vector<256x256xf32>
    %get3A_2 = arith.constant 0 : index
    %get3A_3 = arith.constant 0 : index
    %get3A_4 = vector.load %arg2[%get3A_2, %get3A_3] : memref<256x256xf32, #tpu.memory_space<vmem>>, vector<256x256xf32>
    %sub3A = arith.subf %get3A_4, %get3A_1 : vector<256x256xf32>
    %add3A = arith.addf %get3A_1, %sub3A : vector<256x256xf32>
    %get3A_5 = arith.constant 0 : index
    %get3A_6 = arith.constant 0 : index
    %get3A_7 = vector.load %arg3[%get3A_5, %get3A_6] : memref<4096x256xf32, #tpu.memory_space<vmem>>, vector<4096x256xf32>
    %dot_general3A = arith.constant dense<0.000000e+00> : vector<256x4096xf32>
    %dot_general3A_8 = tpu.matmul %add3A, %get3A_7, %dot_general3A {dimension_numbers = #tpu.dot_dimension_numbers<[1], [1], [0], [0], [0, 0, 1, 0], [], []>, transpose_lhs_hint = false} : vector<256x256xf32>, vector<4096x256xf32>, vector<256x4096xf32> -> vector<256x4096xf32>
    %get3A_9 = arith.constant 0 : index
    %get3A_10 = arith.constant 0 : index
    %get3A_11 = vector.load %arg4[%get3A_9, %get3A_10] : memref<1x4096xf32, #tpu.memory_space<vmem>>, vector<1x4096xf32>
    %add3A_12 = vector.broadcast %get3A_11 : vector<1x4096xf32> to vector<256x4096xf32>
    %add3A_13 = arith.addf %dot_general3A_8, %add3A_12 : vector<256x4096xf32>
    %swap3A = arith.constant 0 : index
    %swap3A_14 = arith.constant 0 : index
    %swap3A_15 = vector.load %arg5[%swap3A, %swap3A_14] : memref<256x4096xf32, #tpu.memory_space<vmem>>, vector<256x4096xf32>
    tpu.vector_store %arg5[%swap3A, %swap3A_14], %add3A_13 {strides = array<i32>} : memref<256x4096xf32, #tpu.memory_space<vmem>>, vector<256x4096xf32>,
    return
  }
  func.func @transform_0(%arg0: i32) -> (i32, i32) {
    %c0_i32 = arith.constant 0 : i32
    %c0_i32_0 = arith.constant 0 : i32
    return %arg0, %c0_i32 : i32, i32
  }
  func.func @transform_1(%arg0: i32) -> (i32, i32) {
    %c0_i32 = arith.constant 0 : i32
    %c0_i32_0 = arith.constant 0 : i32
    return %arg0, %c0_i32 : i32, i32
  }
  func.func @transform_2(%arg0: i32) -> (i32, i32) {
    %c0_i32 = arith.constant 0 : i32
    %c0_i32_0 = arith.constant 0 : i32
    %c0_i32_1 = arith.constant 0 : i32
    return %c0_i32, %c0_i32_0 : i32, i32
  }
  func.func @transform_3(%arg0: i32) -> (i32, i32) {
    %c0_i32 = arith.constant 0 : i32
    %c0_i32_0 = arith.constant 0 : i32
    %c0_i32_1 = arith.constant 0 : i32
    return %c0_i32, %c0_i32_0 : i32, i32
  }
  func.func @transform_4(%arg0: i32) -> (i32, i32) {
    %c0_i32 = arith.constant 0 : i32
    %c0_i32_0 = arith.constant 0 : i32
    return %arg0, %c0_i32 : i32, i32
  }
}

</mosaic_0001>

<sc_bundles>
// kernel: gather_offload_async_start
scs
__scs_entry_jumppad:
0x0: {  	(pc) =	sbr.rel $0x88, $3  }
0x1: {  	(tag) =	ssettag $0x0;
	lr =	simm.s32 $0x1  }
0x2: {  	[smem:$0x3F9A] =	sst lr;
	_ =	strace $0xD0000000  }
0x3: {  	_ = 	snop  }
0x4: {  	_ = 	snop  }
0x5: {  	_ = 	snop  }
0x6: {  	_ = 	snop  }
0x7: {  	_ = 	snop  }
__scs_overlays_trampoline_lowered:
0x8: {  	[smem:$0x3FA9] =	sst s0  }
0x9: {  	[smem:$0x3FAA] =	sst s1  }
0xa: {  	[smem:$0x3FAB] =	sst s2  }
0xb: {  	[smem:$0x3FAC] =	sst s3  }
0xc: {  	[smem:$0x3FAD] =	sst s4  }
0xd: {  	[smem:$0x3FAE] =	sst s5  }
0xe: {  	[smem:$0x3FAF] =	sst s6  }
0xf: {  	[smem:$0x3FB0] =	sst s7  }
0x10: {  	[smem:$0x3FB1] =	sst s8  }
0x11: {  	[smem:$0x3FB2] =	sst s9;
	s0 =	simm.s32 @!p0 $0x0  }
0x12: {  	s1 =	sld [smem:$0x3F98];
	s0 =	simm.s32 @p0 $0x1  }
0x13: {  	[smem:$0x3FB3] =	sst s0;
	s0 =	simm.s32 @!p1 $0x0  }
0x14: {  	s2 =	sld [smem:$0x3F97];
	s0 =	simm.s32 @p1 $0x1  }
0x15: {  	[smem:$0x3FB4] =	sst s0;
	s0 =	simm.s32 @!p2 $0x0  }
0x16: {  	s3 =	sld [smem:$0x3FDB];
	s0 =	simm.s32 @p2 $0x1  }
0x17: {  	s4 =	simm.s32 $0x1BF5;
	[smem:$0x3FB6] =	sst s0  }
0x18: {  	s0 =	sld [smem:$0x3F99];
	_ =	swait.ge [sflag:s4], $0x0  }
0x19: {  	s7 =	sld [smem:$0x3F9A]  }
0x1a: {  	s8 =	sadd.s32 $0xFFFFE003, lr  }
0x1b: {  	s9 =	sadd.s32 $0xFFFFFEF7, lr;
	s5 =	simm.s32 $0xFFFFFFFF;
	p2 =	slt.u32 s8, $0xFFFFF086  }
0x1c: {  	p1 =	slt.u32 s9, $0xF7A;
	s5 =	simm.s32 @!p2 $0x0  }
0x1d: {  	s5 =	simm.s32 @p1 $0x1;
	p0 =	seq.s32 s7, s2  }
0x1e: {  	s7 =	smul.u32 @!p0 $0xF7A, s2;
	p2 =	seq.s32 @!p0 s5, $0x0  }
0x1f: {  	s9 =	smul.u32 $0xF7A, s1;
	s8 =	simm.s32 @!p0 $0x1BF5;
	p2 =	por !p2, p0  }
0x20: {  	[sflag:s8] =	ssyncset.s32 @!p0 $0xFFFFF086;
	s6 =	sadd.s32 @!p0 s3, s7;
	s7 =	simm.s32 @!p0 $0x108  }
0x21: {  	s3 =	sadd.s32 s3, s9;
	s6 =	sadd.s32 @!p0 $0x88, s6;
	s7 =	simm.s32 @p2 $0x1082  }
0x22: {  	[simem:s7], [sflag:s8] =	dma.local @!p0 [hbm:s6], $0xF7A  }
0x23: {  	s9 =	sor.u32 $0xD0000000, s2;
	s6 =	simm.s32 $0x108;
	_ =	swait.ge @!p0 [sflag:s8], $0x0  }
0x24: {  	s3 =	sadd.s32 $0x88, s3;
	s6 =	simm.s32 @!p1 $0x1082;
	[sflag:s4] =	ssyncset.s32 $0xFFFFF086  }
0x25: {  	[simem:s6], [sflag:s4] =	dma.local [hbm:s3], $0xF7A  }
0x26: {  	[smem:$0x3F9A] =	sst s1;
	(tag) =	ssettag s2;
	_ =	strace s9  }
0x27: {  	s1 =	sld [smem:$0x3FAA]  }
0x28: {  	s2 =	sld [smem:$0x3FAB]  }
0x29: {  	s4 =	sld [smem:$0x3FAD]  }
0x2a: {  	p0 =	seq.s32 s5, $0x0;
	s5 =	sld [smem:$0x3FAE]  }
0x2b: {  	s6 =	sld [smem:$0x3FAF]  }
0x2c: {  	s7 =	sld [smem:$0x3FB0]  }
0x2d: {  	s3 =	simm.s32 $0x108;
	s8 =	sld [smem:$0x3FB1]  }
0x2e: {  	s3 =	simm.s32 @!p0 $0x1082;
	s9 =	sld [smem:$0x3FB2]  }
0x2f: {  	lr =	sadd.s32 s0, s3;
	s0 =	sld [smem:$0x3FA9]  }
0x30: {  	s3 =	sld [smem:$0x3FAC]  }
0x31: {  	[smem:$0x3FB5] =	sst s10  }
0x32: {  	s10 =	sld [smem:$0x3FB3];
	_ =	sdelay $0x3  }
0x33: {  	p0 =	seq.s32 s10, $0x1;
	s10 =	sld [smem:$0x3FB5];
	_ =	sdelay $0x3  }
0x34: {  	[smem:$0x3FB5] =	sst s10  }
0x35: {  	s10 =	sld [smem:$0x3FB4];
	_ =	sdelay $0x3  }
0x36: {  	p1 =	seq.s32 s10, $0x1;
	s10 =	sld [smem:$0x3FB5];
	_ =	sdelay $0x3  }
0x37: {  	[smem:$0x3FB5] =	sst s10  }
0x38: {  	s10 =	sld [smem:$0x3FB6]  }
0x39: {  	_ = 	snop;
	(pc) =	sbr.ind lr, $3  }
0x3a: {  	_ = 	snop  }
0x3b: {  	_ = 	snop  }
0x3c: {  	p2 =	seq.s32 s10, $0x1;
	s10 =	sld [smem:$0x3FB5]  }
0x3d: {  	_ =	shalt  }
0x3e: {  	_ =	shalt  }
0x3f: {  	_ =	shalt  }
0x40: {  	_ =	shalt  }
0x41: {  	_ =	shalt  }
0x42: {  	_ =	shalt  }
0x43: {  	_ =	shalt  }
0x44: {  	_ =	shalt  }
0x45: {  	_ =	shalt  }
0x46: {  	_ =	shalt  }
0x47: {  	_ =	shalt  }
0x48: {  	_ =	shalt  }
0x49: {  	_ =	shalt  }
0x4a: {  	_ =	shalt  }
0x4b: {  	_ =	shalt  }
0x4c: {  	_ =	shalt  }
0x4d: {  	_ =	shalt  }
0x4e: {  	_ =	shalt  }
0x4f: {  	_ =	shalt  }
0x50: {  	_ =	shalt  }
0x51: {  	_ =	shalt  }
0x52: {  	_ =	shalt  }
0x53: {  	_ =	shalt  }
0x54: {  	_ =	shalt  }
0x55: {  	_ =	shalt  }
0x56: {  	_ =	shalt  }
0x57: {  	_ =	shalt  }
0x58: {  	_ =	shalt  }
0x59: {  	_ =	shalt  }
0x5a: {  	_ =	shalt  }
0x5b: {  	_ =	shalt  }
0x5c: {  	_ =	shalt  }
0x5d: {  	_ =	shalt  }
0x5e: {  	_ =	shalt  }
0x5f: {  	_ =	shalt  }
0x60: {  	_ =	shalt  }
0x61: {  	_ =	shalt  }
0x62: {  	_ =	shalt  }
0x63: {  	_ =	shalt  }
0x64: {  	_ =	shalt  }
0x65: {  	_ =	shalt  }
0x66: {  	_ =	shalt  }
0x67: {  	_ =	shalt  }
0x68: {  	_ =	shalt  }
0x69: {  	_ =	shalt  }
0x6a: {  	_ =	shalt  }
0x6b: {  	_ =	shalt  }
0x6c: {  	_ =	shalt  }
0x6d: {  	_ =	shalt  }
0x6e: {  	_ =	shalt  }
0x6f: {  	_ =	shalt  }
0x70: {  	_ =	shalt  }
0x71: {  	_ =	shalt  }
0x72: {  	_ =	shalt  }
0x73: {  	_ =	shalt  }
0x74: {  	_ =	shalt  }
0x75: {  	_ =	shalt  }
0x76: {  	_ =	shalt  }
0x77: {  	_ =	shalt  }
0x78: {  	_ =	shalt  }
0x79: {  	_ =	shalt  }
0x7a: {  	_ =	shalt  }
0x7b: {  	_ =	shalt  }
0x7c: {  	_ =	shalt  }
0x7d: {  	_ =	shalt  }
0x7e: {  	_ =	shalt  }
0x7f: {  	_ =	shalt  }
0x80: {  	_ =	shalt  }
0x81: {  	_ =	shalt  }
0x82: {  	_ =	shalt  }
0x83: {  	_ =	shalt  }
0x84: {  	_ =	shalt  }
0x85: {  	_ =	shalt  }
0x86: {  	_ =	shalt  }
0x87: {  	_ =	shalt  }
.Lfunc_end0:
.L_simem_size_0:
called_computation_lowered:
.L_overlay_start_0:
0x88: {  	s2 =	sld [smem:$0x3FD9]  }
0x89: {  	s3 =	sld [smem:$0x3FFE];
	_ =	sdelay $0x1  }
0x8a: {  	s1 =	srdreg.scid  }
0x8b: {  	s0 =	sand.u32 $0x1, s1  }
0x8c: {  	s17 =	sshll.u32 s0, $0xA;
	s2 =	sadd.s32 s3, s2  }
0x8d: {  	s2 =	sadd.s32 s2, s17  }
0x8e: {  	[smem:$0x3FC1] =	sst s2  }
0x8f: {  	_ = 	snop  }
0x90: {  	s2 =	sld [smem:$0x3FC3];
	(tm) =	ssettm $0x1  }
0x91: {  	s18 =	sld [smem:$0x3FFB];
	_ =	sdelay $0x3  }
0x92: {  	_ =	strace s18  }
0x93: {  	s3 =	sld [smem:$0x3FFC];
	_ =	sdelay $0x3  }
0x94: {  	_ =	strace s3  }
0x95: {  	s3 =	sld [smem:$0x3FFD];
	_ =	sdelay $0x3  }
0x96: {  	_ =	strace s3  }
0x97: {  	_ =	strace $0x8FFFFFFF  }
0x98: {  	s19 =	sld [smem:$0x3FDB];
	_ =	sdelay $0x1  }
0x99: {  	s4 =	simm.s32 $_scs_section_size  }
0x9a: {  	s5 =	simm.s32 $_size__tile_overlayer_lowered;
	s6 =	simm.s32 $_tile_overlayer_lowered  }
0x9b: {  	s22 =	simm.s32 $0x1BFF;
	s21 =	sshll.u32 s6, $0x1;
	s3 =	sadd.s32 s4, s19  }
0x9c: {  	s7 =	simm.s32 $0x0;
	s20 =	sshll.u32 s5, $0x1;
	s5 =	sadd.s32 s21, s3  }
0x9d: {  	[timem:s7], [sflag:s22] =	dma.local [hbm:s5], s20  }
0x9e: {  	_ =	swait.ge [sflag:s22], s20  }
0x9f: {  	s4 =	ssub.s32 $0x0, s20;
	[sflag:s22] =	ssyncset.done $0x0  }
0xa0: {  	[sflag:s22] =	ssyncadd.s32 s4;
	_ =	sdelay $0x1  }
0xa1: {  	s23 =	simm.s32 $0x1B8B  }
0xa2: {  	_ =	swait.ge [sflag:s23], $0x1  }
0xa3: {  	[sflag:s23] =	ssyncset.done $0x0  }
0xa4: {  	s25 =	simm.s32 $0x1B8E;
	s24 =	sld [smem:$0x3FFE];
	[sflag:s23] =	ssyncadd.s32 $0xFFFFFFFF  }
0xa5: {  	s26 =	simm.s32 $execute0_lowered;
	[smem:$0x3FD2] =	sst s25  }
0xa6: {  	s5 =	sshll.u32 s26, $0x1;
	_ =	strace $0x80000046;
	[dreg:$0x1] =	wrdreg $0xFFFFFFFF  }
0xa7: {  	s28 =	simm.s32 $_size_execute0_lowered;
	s3 =	sadd.s32 s3, s5;
	[dreg:$0x0] =	wrdreg $0x0  }
0xa8: {  	s5 =	sshll.u32 s28, $0x1;
	[dreg:$0x2] =	wrdreg s3  }
0xa9: {  	[dreg:$0x3] =	wrdreg s5  }
0xaa: {  	[dreg:$0x4] =	wrdreg $0xC0  }
0xab: {  	_ =	task [dreg:s7], $0x5FFFF  }
0xac: {  	[dreg:$0x1] =	wrdreg $0xFFFFFFFF  }
0xad: {  	[dreg:$0x0] =	wrdreg $0x60  }
0xae: {  	[dreg:$0x2] =	wrdreg s2  }
0xaf: {  	[dreg:$0x3] =	wrdreg s24  }
0xb0: {  	[dreg:$0x4] =	wrdreg $0x9  }
0xb1: {  	_ =	task.clear_ibuf [dreg:s7], $0x5FFFF;
	_ =	strace $0x90000046  }
0xb2: {  	s29 =	simm.s32 $0x9;
	_ =	strace $0x80000048  }
0xb3: {  	_ =	swait.ge [sflag:s29], $0x1  }
0xb4: {  	[sflag:s29] =	ssyncadd.s32 $0xFFFFFFFF  }
0xb5: {  	_ =	strace $0x90000048  }
0xb6: {  	_ =	sfence  }
0xb7: {  	s30 =	sld [smem:$0x0];
	_ =	sdelay $0x2  }
0xb8: {  	s31 =	sshll.u32 s1, $0xD;
	s1 =	sshrl.u32 s1, $0x2  }
0xb9: {  	s3 =	sand.u32 $0x4000, s31;
	s1 =	sadd.s32 s1, s30  }
0xba: {  	s0 =	sor.u32 s3, s0;
	s1 =	sshll.u32 s1, $0x11  }
0xbb: {  	s0 =	sor.u32 s1, s0  }
0xbc: {  	s0 =	sadd.s32 $0x8F2B, s0  }
0xbd: {  	[sflag:s0] =	ssyncadd.remote.s32 $0x1  }
0xbe: {  	_ =	sfence.sel $0xFFFF  }
0xbf: {  	[dreg:$0x0] =	wrdreg $0xFFFFFFFF;
	(pc) =	sbr.abs _section_cstart, $3  }
0xc0: {  	[dreg:$0x1] =	wrdreg $0xFFFFFFFF  }
0xc1: {  	_ =	task.clear_ibuf [dreg:s7], $0x2FFFF;
	_ =	strace $0x9FFFFFFF  }
0xc2: {  	(tm) =	ssettm $0x7FFFFFFF  }
0xc3: {  	_ =	shalt  }
tec
execute0_lowered:
.L_overlay_start_1:
0x0: {  	(tag) =	ssettag $0x1  }
0x1: {  	s1 =	srdreg.scid;
	s2 =	rddreg [dreg:$0x0]  }
0x2: {  	s0 =	stileid.u32;
	s3 =	rddreg [dreg:$0x1]  }
0x3: {  	s6 =	simm.s32 $0x1;
	s9 =	simm.s32 $0x1;
	s1 =	sshll.u32 s1, $0x6  }
0x4: {  	s10 =	simm.s32 $0x3;
	s4 =	sshll.u32 s0, $0x7;
	s5 =	sand.u32 $0x40, s1  }
0x5: {  	s13 =	simm.s32 $0x0;
	s12 =	simm.s32 $0x0;
	s4 =	sor.u32 s4, s5  }
0x6: {  	s1 =	rddreg [dreg:$0x2];
	_ =	strace $0x80000047;
	s8 =	ssub.s32 $0x1000, s4  }
.Ltmp0:
0x7: {  	s5 =	sadd.s32 $0x200, s3;
	s7 =	sand.u32 $0x7C0, s8;
	(pc) =	sbr.rel .LBB2_1-.Ltmp0, $4  }
0x8: {  	[sflag:s6] =	ssyncpa.u1 $0x0;
	s11 =	smov.u32 s4;
	p0 =	sne.s32 s7, $0x0  }
0x9: {  	s8 =	sshrl.u32 s8, $0xB;
	s7 =	simm.s32 $0x2;
	s9 =	simm.s32 @!p0 $0x0  }
0xa: {  	[sflag:s7] =	ssyncpa.u1 $0x0;
	p0 =	por $0x0, $0x0;
	s8 =	sadd.s32 s9, s8  }
0xb: {  	vm0 =	vmmov $0xffff;
	[sflag:s10] =	ssyncpa.u1 $0x0;
	s10 =	simm.s32 $0x0;
	s9 =	sadd.s32 $0x1, s8  }
.LBB2_4:
0xc: {  	v2 =	vnsel vm1, $0x0, v2  }
0xd: {  	vm1 =	vgt.s32 v0, $0x0;
	v2 =	vmin.u32 v2, $0x1FFF  }
0xe: {  	v0 =	vnsel vm1, $0x0, v0  }
0xf: {  	v0 =	vmin.u32 v0, $0x1FFF  }
0x10: {  	[tilespmem:s15], [sflag:$0x1] =	stream.indirect_vreg.gather [hbm4b:s2+s10], $0x1, v1, vm0, $0x4038;
	[tilespmem:$0x100] =	vst v63  }
0x11: {  	(ifvalue) =	ssetifvalue $0x7FFFFFFF  }
0x12: {  	[tilespmem:s16], [sflag:$0x1] =	stream.indirect_vreg.gather [hbm4b:s2+s10], $0x1, v2, vm0, $0x4038;
	[tilespmem:$0x100] =	vst v63  }
0x13: {  	s29 =	sadd.s32 $0x10, s16;
	(ifvalue) =	ssetifvalue $0x7FFFFFFF  }
0x14: {  	[tilespmem:s29], [sflag:$0x1] =	stream.indirect_vreg.gather [hbm4b:s2+s10], $0x1, v0, vm0, $0x4038;
	[tilespmem:$0x100] =	vst v63  }
0x15: {  	_ =	swait.ge [sflag:s6], $0x40  }
0x16: {  	s30 =	sshrl.u32 s13, $0x3;
	[sflag:s6] =	ssyncset.done $0x0  }
0x17: {  	s31 =	sand.u32 $0x7, s13;
	s15 =	sadd.s32 s5, s30;
	[sflag:s6] =	ssyncadd.s32 $0xFFFFFFC0  }
0x18: {  	[hbm4b:s15+s31] =	stream.linear.scatter [tilespmem:s14], [sflag:$0x3], $0x40, $0x38;
	[tilespmem:$0x100] =	vst v63  }
.LBB2_5:
0x19: {  	s15 =	sadd.s32 $0x800, s11  }
0x1a: {  	p2 =	sgt.s32 s15, $0xFFF  }
0x1b: {  	s15 =	smov.u32 @p2 s4;
	p2 =	sne.s32 s12, s9  }
.Ltmp1:
0x1c: {  	p1 =	slt.u32 s12, $0x2;
	(pc) =	sbr.rel @!p2 .LBB2_6-.Ltmp1, $4  }
0x1d: {  	s14 =	simm.s32 @!p1 $0x3  }
0x1e: {  	s16 =	sadd.s32 $0x1, s12;
	_ =	swait.ge @!p1 [sflag:s14], $0x40  }
0x1f: {  	s13 =	smov.u32 s11;
	p0 =	por !p0, !p0;
	[sflag:s14] =	ssyncset.done @!p1 $0x0  }
0x20: {  	s12 =	smov.u32 s16;
	s11 =	smov.u32 s15;
	[sflag:s14] =	ssyncadd.s32 @!p1 $0xFFFFFFC0  }
.LBB2_1:
0x21: {  	p1 =	sge.u32 s12, s8  }
0x22: {  	s14 =	sxor.u32 @!p1 $0xFFFFFFFF, s12  }
0x23: {  	s31 =	sadd.s32 $0xFFFFFFFF, s12;
	s15 =	sshrl.u32 @!p1 s11, $0x3;
	s14 =	sshll.u32 @!p1 s14, $0x6  }
0x24: {  	s16 =	sand.u32 @!p1 $0x7, s11;
	s15 =	sadd.s32 @!p1 s3, s15;
	s14 =	sand.u32 @!p1 $0x40, s14  }
0x25: {  	[tilespmem:s14], [sflag:$0x2] =	stream.linear.gather @!p1 [hbm4b:s15+s16], $0x40, $0x38;
	[tilespmem:$0x100] =	vst v63  }
0x26: {  	p1 =	sge.u32 s31, s8  }
.Ltmp2:
0x27: {  	_ = 	snop;
	(pc) =	sbr.rel @p1 .LBB2_5-.Ltmp2, $1  }
0x28: {  	_ =	sdelay $0x3  }
0x29: {  	s14 =	simm.s32 $0x1  }
0x2a: {  	_ =	swait.ge [sflag:s7], $0x40;
	s14 =	simm.s32 @!p0 $0x0  }
0x2b: {  	[sflag:s7] =	ssyncset.done $0x0;
	s14 =	sshll.u32 s14, $0x6  }
0x2c: {  	[sflag:s7] =	ssyncadd.s32 $0xFFFFFFC0;
	(ifvalue) =	ssetifvalue $0x7FFFFFFF;
	v0 =	vld.msk [tilespmem:s14+$0x0 ss:$0x1], $0xffff;
	_ =	sdelay $0x4  }
0x2d: {  	s15 =	sadd.s32 $0x10, s14;
	vm1 =	vgt.s32 v0, $0x0  }
0x2e: {  	v2 =	vld.msk [tilespmem:s15+$0x0 ss:$0x1], $0xffff;
	v1 =	vnsel vm1, $0x0, v0  }
0x2f: {  	v1 =	vmin.u32 v1, $0x1FFF;
	_ =	sdelay $0x1  }
0x30: {  	s16 =	sshll.u32 s12, $0x6;
	s18 =	simm.s32 $0x20  }
0x31: {  	s16 =	sand.u32 $0x40, s16;
	s17 =	sadd.s32 $0x10, s15;
	s15 =	sor.u32 $0x80, s14  }
0x32: {  	s14 =	sor.u32 $0x80, s16;
	s16 =	sadd.s32 $0x10, s15;
	v0 =	vld.msk [tilespmem:s17+$0x0 ss:$0x1], $0xffff;
	vm1 =	vgt.s32 v2, $0x0;
	(ifvalue) =	ssetifvalue $0x7FFFFFFF  }
.LBB2_3:
0x33: {  	[tilespmem:s15], [sflag:$0x1] =	stream.indirect_vreg.gather [hbm4b:s2+s10], $0x1, v1, vm0, $0x4038;
	[tilespmem:$0x100] =	vst v63  }
0x34: {  	s18 =	sadd.s32 $0x10, s18  }
0x35: {  	v2 =	vnsel vm1, $0x0, v2;
	p1 =	slt.u32 s18, $0x30  }
.Ltmp3:
0x36: {  	s15 =	smov.u32 s16;
	v1 =	vmin.u32 v2, $0x1FFF;
	(pc) =	sbr.rel @p1 .LBB2_3-.Ltmp3, $3  }
0x37: {  	_ =	sdelay $0x1  }
0x38: {  	s17 =	sadd.s32 $0x10, s17  }
0x39: {  	vm1 =	vgt.s32 v0, $0x0;
	s16 =	sadd.s32 $0x10, s16;
	v2 =	vmov v0;
	(ifvalue) =	ssetifvalue $0x7FFFFFFF;
	v0 =	vld.msk [tilespmem:s17+$0x0 ss:$0x1], $0xffff  }
.Ltmp4:
0x3a: {  	_ = 	snop;
	(pc) =	sbr.rel .LBB2_4-.Ltmp4, $1  }
0x3b: {  	_ =	sdelay $0x3  }
.LBB2_6:
0x3c: {  	_ =	sfence.sel $0x180000  }
0x3d: {  	s2 =	simm.s32 $0x2;
	[bflag:$0x0] =	sbarrier.arrive $0xFFFF  }
0x3e: {  	s30 =	simm.s32 $0x3;
	[sflag:s2] =	ssyncpa.u1 $0x1  }
0x3f: {  	s31 =	simm.s32 $0x1;
	[sflag:s30] =	ssyncpa.u1 $0x1  }
0x40: {  	[sflag:s31] =	ssyncpa.u1 $0x1  }
0x41: {  	p0 =	sne.s32 s0, $0x0;
	_ =	strace $0x90000047  }
0x42: {  	s0 =	sadd.s32 @!p0 $0x100000, s1;
	[bflag:$0x2] =	sbarrier.arrive $0xFFFF  }
0x43: {  	[sflag:s0] =	ssyncadd.tile.s32 @!p0 $0x1;
	_ =	shalt  }
.Lfunc_end2:
_tile_overlayer_lowered:
.L_overlay_start_2:
0x44: {  	(tag) =	ssettag $0x2  }
0x45: {  	s0 =	rddreg [dreg:$0x0];
	s2 =	stileid.u32  }
0x46: {  	s1 =	rddreg [dreg:$0x1];
	p0 =	sne.s32 s2, $0x0  }
0x47: {  	s3 =	rddreg [dreg:$0x2];
	[bflag:$0x3] =	sbarrier.arrive $0xFFFF;
	s2 =	simm.s32 @!p0 $0x1C01  }
0x48: {  	[timem:s3], [sflag:s2] =	dma.local @!p0 [hbm:s0], s1  }
0x49: {  	s0 =	simm.s32 @!p0 $0x1  }
0x4a: {  	_ =	swait.ge @!p0 [sflag:s0], s1  }
0x4b: {  	s1 =	ssub.s32 @!p0 $0x0, s1;
	[sflag:s0] =	ssyncset.done @!p0 $0x0  }
0x4c: {  	[sflag:s0] =	ssyncadd.s32 @!p0 s1  }
0x4d: {  	[bflag:$0x3] =	sbarrier.arrive $0xFFFF  }
0x4e: {  	_ =	shalt  }

// kernel: kernel.5.cloned.1.call-start
scs
__scs_entry_jumppad:
0x0: {  	(pc) =	sbr.rel $0x88, $3  }
0x1: {  	(tag) =	ssettag $0x0;
	lr =	simm.s32 $0x1  }
0x2: {  	[smem:$0x3F9A] =	sst lr;
	_ =	strace $0xD0000000  }
0x3: {  	_ = 	snop  }
0x4: {  	_ = 	snop  }
0x5: {  	_ = 	snop  }
0x6: {  	_ = 	snop  }
0x7: {  	_ = 	snop  }
__scs_overlays_trampoline_lowered:
0x8: {  	[smem:$0x3FA9] =	sst s0  }
0x9: {  	[smem:$0x3FAA] =	sst s1  }
0xa: {  	[smem:$0x3FAB] =	sst s2  }
0xb: {  	[smem:$0x3FAC] =	sst s3  }
0xc: {  	[smem:$0x3FAD] =	sst s4  }
0xd: {  	[smem:$0x3FAE] =	sst s5  }
0xe: {  	[smem:$0x3FAF] =	sst s6  }
0xf: {  	[smem:$0x3FB0] =	sst s7  }
0x10: {  	[smem:$0x3FB1] =	sst s8  }
0x11: {  	[smem:$0x3FB2] =	sst s9;
	s0 =	simm.s32 @!p0 $0x0  }
0x12: {  	s1 =	sld [smem:$0x3F98];
	s0 =	simm.s32 @p0 $0x1  }
0x13: {  	[smem:$0x3FB3] =	sst s0;
	s0 =	simm.s32 @!p1 $0x0  }
0x14: {  	s2 =	sld [smem:$0x3F97];
	s0 =	simm.s32 @p1 $0x1  }
0x15: {  	[smem:$0x3FB4] =	sst s0;
	s0 =	simm.s32 @!p2 $0x0  }
0x16: {  	s3 =	sld [smem:$0x3FDB];
	s0 =	simm.s32 @p2 $0x1  }
0x17: {  	s4 =	simm.s32 $0x1BF5;
	[smem:$0x3FB6] =	sst s0  }
0x18: {  	s0 =	sld [smem:$0x3F99];
	_ =	swait.ge [sflag:s4], $0x0  }
0x19: {  	s7 =	sld [smem:$0x3F9A]  }
0x1a: {  	s8 =	sadd.s32 $0xFFFFE003, lr  }
0x1b: {  	s9 =	sadd.s32 $0xFFFFFEF7, lr;
	s5 =	simm.s32 $0xFFFFFFFF;
	p2 =	slt.u32 s8, $0xFFFFF086  }
0x1c: {  	p1 =	slt.u32 s9, $0xF7A;
	s5 =	simm.s32 @!p2 $0x0  }
0x1d: {  	s5 =	simm.s32 @p1 $0x1;
	p0 =	seq.s32 s7, s2  }
0x1e: {  	s7 =	smul.u32 @!p0 $0xF7A, s2;
	p2 =	seq.s32 @!p0 s5, $0x0  }
0x1f: {  	s9 =	smul.u32 $0xF7A, s1;
	s8 =	simm.s32 @!p0 $0x1BF5;
	p2 =	por !p2, p0  }
0x20: {  	[sflag:s8] =	ssyncset.s32 @!p0 $0xFFFFF086;
	s6 =	sadd.s32 @!p0 s3, s7;
	s7 =	simm.s32 @!p0 $0x108  }
0x21: {  	s3 =	sadd.s32 s3, s9;
	s6 =	sadd.s32 @!p0 $0x88, s6;
	s7 =	simm.s32 @p2 $0x1082  }
0x22: {  	[simem:s7], [sflag:s8] =	dma.local @!p0 [hbm:s6], $0xF7A  }
0x23: {  	s9 =	sor.u32 $0xD0000000, s2;
	s6 =	simm.s32 $0x108;
	_ =	swait.ge @!p0 [sflag:s8], $0x0  }
0x24: {  	s3 =	sadd.s32 $0x88, s3;
	s6 =	simm.s32 @!p1 $0x1082;
	[sflag:s4] =	ssyncset.s32 $0xFFFFF086  }
0x25: {  	[simem:s6], [sflag:s4] =	dma.local [hbm:s3], $0xF7A  }
0x26: {  	[smem:$0x3F9A] =	sst s1;
	(tag) =	ssettag s2;
	_ =	strace s9  }
0x27: {  	s1 =	sld [smem:$0x3FAA]  }
0x28: {  	s2 =	sld [smem:$0x3FAB]  }
0x29: {  	s4 =	sld [smem:$0x3FAD]  }
0x2a: {  	p0 =	seq.s32 s5, $0x0;
	s5 =	sld [smem:$0x3FAE]  }
0x2b: {  	s6 =	sld [smem:$0x3FAF]  }
0x2c: {  	s7 =	sld [smem:$0x3FB0]  }
0x2d: {  	s3 =	simm.s32 $0x108;
	s8 =	sld [smem:$0x3FB1]  }
0x2e: {  	s3 =	simm.s32 @!p0 $0x1082;
	s9 =	sld [smem:$0x3FB2]  }
0x2f: {  	lr =	sadd.s32 s0, s3;
	s0 =	sld [smem:$0x3FA9]  }
0x30: {  	s3 =	sld [smem:$0x3FAC]  }
0x31: {  	[smem:$0x3FB5] =	sst s10  }
0x32: {  	s10 =	sld [smem:$0x3FB3];
	_ =	sdelay $0x3  }
0x33: {  	p0 =	seq.s32 s10, $0x1;
	s10 =	sld [smem:$0x3FB5];
	_ =	sdelay $0x3  }
0x34: {  	[smem:$0x3FB5] =	sst s10  }
0x35: {  	s10 =	sld [smem:$0x3FB4];
	_ =	sdelay $0x3  }
0x36: {  	p1 =	seq.s32 s10, $0x1;
	s10 =	sld [smem:$0x3FB5];
	_ =	sdelay $0x3  }
0x37: {  	[smem:$0x3FB5] =	sst s10  }
0x38: {  	s10 =	sld [smem:$0x3FB6]  }
0x39: {  	_ = 	snop;
	(pc) =	sbr.ind lr, $3  }
0x3a: {  	_ = 	snop  }
0x3b: {  	_ = 	snop  }
0x3c: {  	p2 =	seq.s32 s10, $0x1;
	s10 =	sld [smem:$0x3FB5]  }
0x3d: {  	_ =	shalt  }
0x3e: {  	_ =	shalt  }
0x3f: {  	_ =	shalt  }
0x40: {  	_ =	shalt  }
0x41: {  	_ =	shalt  }
0x42: {  	_ =	shalt  }
0x43: {  	_ =	shalt  }
0x44: {  	_ =	shalt  }
0x45: {  	_ =	shalt  }
0x46: {  	_ =	shalt  }
0x47: {  	_ =	shalt  }
0x48: {  	_ =	shalt  }
0x49: {  	_ =	shalt  }
0x4a: {  	_ =	shalt  }
0x4b: {  	_ =	shalt  }
0x4c: {  	_ =	shalt  }
0x4d: {  	_ =	shalt  }
0x4e: {  	_ =	shalt  }
0x4f: {  	_ =	shalt  }
0x50: {  	_ =	shalt  }
0x51: {  	_ =	shalt  }
0x52: {  	_ =	shalt  }
0x53: {  	_ =	shalt  }
0x54: {  	_ =	shalt  }
0x55: {  	_ =	shalt  }
0x56: {  	_ =	shalt  }
0x57: {  	_ =	shalt  }
0x58: {  	_ =	shalt  }
0x59: {  	_ =	shalt  }
0x5a: {  	_ =	shalt  }
0x5b: {  	_ =	shalt  }
0x5c: {  	_ =	shalt  }
0x5d: {  	_ =	shalt  }
0x5e: {  	_ =	shalt  }
0x5f: {  	_ =	shalt  }
0x60: {  	_ =	shalt  }
0x61: {  	_ =	shalt  }
0x62: {  	_ =	shalt  }
0x63: {  	_ =	shalt  }
0x64: {  	_ =	shalt  }
0x65: {  	_ =	shalt  }
0x66: {  	_ =	shalt  }
0x67: {  	_ =	shalt  }
0x68: {  	_ =	shalt  }
0x69: {  	_ =	shalt  }
0x6a: {  	_ =	shalt  }
0x6b: {  	_ =	shalt  }
0x6c: {  	_ =	shalt  }
0x6d: {  	_ =	shalt  }
0x6e: {  	_ =	shalt  }
0x6f: {  	_ =	shalt  }
0x70: {  	_ =	shalt  }
0x71: {  	_ =	shalt  }
0x72: {  	_ =	shalt  }
0x73: {  	_ =	shalt  }
0x74: {  	_ =	shalt  }
0x75: {  	_ =	shalt  }
0x76: {  	_ =	shalt  }
0x77: {  	_ =	shalt  }
0x78: {  	_ =	shalt  }
0x79: {  	_ =	shalt  }
0x7a: {  	_ =	shalt  }
0x7b: {  	_ =	shalt  }
0x7c: {  	_ =	shalt  }
0x7d: {  	_ =	shalt  }
0x7e: {  	_ =	shalt  }
0x7f: {  	_ =	shalt  }
0x80: {  	_ =	shalt  }
0x81: {  	_ =	shalt  }
0x82: {  	_ =	shalt  }
0x83: {  	_ =	shalt  }
0x84: {  	_ =	shalt  }
0x85: {  	_ =	shalt  }
0x86: {  	_ =	shalt  }
0x87: {  	_ =	shalt  }
.Lfunc_end0:
.L_simem_size_0:
called_computation.1_lowered:
.L_overlay_start_0:
0x88: {  	s2 =	sld [smem:$0x3FD9]  }
0x89: {  	s3 =	sld [smem:$0x3FFE];
	_ =	sdelay $0x1  }
0x8a: {  	s1 =	srdreg.scid  }
0x8b: {  	s0 =	sand.u32 $0x1, s1  }
0x8c: {  	s16 =	sshll.u32 s0, $0xA;
	s2 =	sadd.s32 s3, s2  }
0x8d: {  	s2 =	sadd.s32 s2, s16  }
0x8e: {  	[smem:$0x3FC1] =	sst s2  }
0x8f: {  	_ = 	snop  }
0x90: {  	s17 =	sld [smem:$0x3FD0];
	_ =	sdelay $0x2  }
0x91: {  	s5 =	simm.s32 $0xB;
	s4 =	simm.s32 $0x10;
	s2 =	sld [smem:$0x3FC6]  }
0x92: {  	[smem:s4], [sflag:s5] =	dma.local [hbm:s17], $0x1  }
0x93: {  	_ =	swait.eq [sflag:s5], $0x1  }
0x94: {  	[sflag:s5] =	ssyncset.done $0x0  }
0x95: {  	s18 =	sld [smem:$0x10];
	[sflag:s5] =	ssyncadd.s32 $0xFFFFFFFF  }
0x96: {  	s19 =	sld [smem:$0x11];
	(tm) =	ssettm $0x1  }
0x97: {  	s20 =	sld [smem:$0x3FFB];
	_ =	sdelay $0x3  }
0x98: {  	_ =	strace s20  }
0x99: {  	s3 =	sld [smem:$0x3FFC];
	_ =	sdelay $0x3  }
0x9a: {  	_ =	strace s3  }
0x9b: {  	s3 =	sld [smem:$0x3FFD];
	_ =	sdelay $0x3  }
0x9c: {  	_ =	strace s3  }
0x9d: {  	_ =	strace $0x8FFFFFFF  }
0x9e: {  	s21 =	sld [smem:$0x3FDB];
	_ =	sdelay $0x1  }
0x9f: {  	s6 =	simm.s32 $_scs_section_size  }
0xa0: {  	s7 =	simm.s32 $_size__tile_overlayer_lowered;
	s8 =	simm.s32 $_tile_overlayer_lowered  }
0xa1: {  	s9 =	simm.s32 $0x1BFF;
	s22 =	sshll.u32 s8, $0x1;
	s6 =	sadd.s32 s6, s21  }
0xa2: {  	s23 =	simm.s32 $0x0;
	s7 =	sshll.u32 s7, $0x1;
	s8 =	sadd.s32 s22, s6  }
0xa3: {  	[timem:s23], [sflag:s9] =	dma.local [hbm:s8], s7  }
0xa4: {  	_ =	swait.ge [sflag:s9], s7  }
0xa5: {  	s7 =	ssub.s32 $0x0, s7;
	[sflag:s9] =	ssyncset.done $0x0  }
0xa6: {  	[sflag:s9] =	ssyncadd.s32 s7;
	_ =	sdelay $0x1  }
0xa7: {  	s24 =	simm.s32 $0x1B8B  }
0xa8: {  	_ =	swait.ge [sflag:s24], $0x1  }
0xa9: {  	[sflag:s24] =	ssyncset.done $0x0  }
0xaa: {  	[sflag:s24] =	ssyncadd.s32 $0xFFFFFFFF  }
0xab: {  	s7 =	sld [smem:$0x0]  }
0xac: {  	s8 =	sand.u32 $0xFFFFFFFE, s1  }
0xad: {  	p0 =	sne.s32 s1, s8  }
0xae: {  	s8 =	sshll.u32 @p0 s8, $0xE  }
0xaf: {  	s8 =	sadd.s32 @p0 $0x11B8D, s8;
	s9 =	sshll.u32 @p0 s7, $0x11  }
0xb0: {  	s8 =	sor.u32 @p0 s9, s8  }
0xb1: {  	[sflag:s8] =	ssyncadd.remote.s32 @p0 $0x1;
	_ =	sdelay $0x1  }
0xb2: {  	s8 =	simm.s32 @p0 $0x1B8D  }
0xb3: {  	_ =	swait.eq @p0 [sflag:s8], $0x1  }
0xb4: {  	[sflag:s8] =	ssyncadd.s32 @p0 $0xFFFFFFFF  }
0xb5: {  	s9 =	sshll.u32 @!p0 s1, $0xE  }
0xb6: {  	s9 =	sor.u32 @!p0 $0x4000, s9;
	s8 =	simm.s32 @!p0 $0x1B8D  }
0xb7: {  	s7 =	sshll.u32 @!p0 s7, $0x11;
	s9 =	sadd.s32 @!p0 $0x11B8D, s9;
	_ =	swait.eq @!p0 [sflag:s8], $0x1  }
0xb8: {  	s7 =	sor.u32 @!p0 s7, s9;
	[sflag:s8] =	ssyncadd.s32 @!p0 $0xFFFFFFFF  }
0xb9: {  	s25 =	simm.s32 $0x1B8E;
	[sflag:s7] =	ssyncadd.remote.s32 @!p0 $0x1  }
0xba: {  	s26 =	simm.s32 $execute0_lowered;
	[smem:$0x3FD2] =	sst s25  }
0xbb: {  	s7 =	sshll.u32 s26, $0x1;
	_ =	strace $0x80000049;
	[dreg:$0x1] =	wrdreg $0xFFFFFFFF  }
0xbc: {  	s28 =	simm.s32 $_size_execute0_lowered;
	s6 =	sadd.s32 s6, s7;
	[dreg:$0x0] =	wrdreg $0x0  }
0xbd: {  	s7 =	sshll.u32 s28, $0x1;
	[dreg:$0x2] =	wrdreg s6  }
0xbe: {  	[dreg:$0x3] =	wrdreg s7  }
0xbf: {  	[dreg:$0x4] =	wrdreg $0xC0  }
0xc0: {  	_ =	task [dreg:s23], $0x5FFFF  }
0xc1: {  	[dreg:$0x1] =	wrdreg $0xFFFFFFFF  }
0xc2: {  	[dreg:$0x0] =	wrdreg $0x60  }
0xc3: {  	[dreg:$0x2] =	wrdreg s2  }
0xc4: {  	[dreg:$0x3] =	wrdreg s19  }
0xc5: {  	[dreg:$0x4] =	wrdreg s18  }
0xc6: {  	[dreg:$0x5] =	wrdreg $0xA  }
0xc7: {  	_ =	task.clear_ibuf [dreg:s23], $0x6FFFF;
	_ =	strace $0x90000049  }
0xc8: {  	s29 =	simm.s32 $0xA;
	_ =	strace $0x8000004B  }
0xc9: {  	_ =	swait.ge [sflag:s29], $0x1  }
0xca: {  	[sflag:s29] =	ssyncadd.s32 $0xFFFFFFFF  }
0xcb: {  	_ =	strace $0x9000004B  }
0xcc: {  	_ =	sfence  }
0xcd: {  	s30 =	sld [smem:$0x0];
	_ =	sdelay $0x2  }
0xce: {  	s31 =	sshll.u32 s1, $0xD;
	s1 =	sshrl.u32 s1, $0x2  }
0xcf: {  	s4 =	sand.u32 $0x4000, s31;
	s1 =	sadd.s32 s1, s30  }
0xd0: {  	s0 =	sor.u32 s4, s0;
	s1 =	sshll.u32 s1, $0x11  }
0xd1: {  	s0 =	sor.u32 s1, s0  }
0xd2: {  	s0 =	sadd.s32 $0x8F2B, s0  }
0xd3: {  	[sflag:s0] =	ssyncadd.remote.s32 $0x1  }
0xd4: {  	_ =	sfence.sel $0xFFFF  }
0xd5: {  	[dreg:$0x0] =	wrdreg $0xFFFFFFFF;
	(pc) =	sbr.abs _section_cstart, $3  }
0xd6: {  	[dreg:$0x1] =	wrdreg $0xFFFFFFFF  }
0xd7: {  	_ =	task.clear_ibuf [dreg:s23], $0x2FFFF;
	_ =	strace $0x9FFFFFFF  }
0xd8: {  	(tm) =	ssettm $0x7FFFFFFF  }
0xd9: {  	_ =	shalt  }
tec
execute0_lowered:
.L_overlay_start_1:
0x0: {  	(tag) =	ssettag $0x1  }
0x1: {  	s1 =	rddreg [dreg:$0x0]  }
0x2: {  	s4 =	rddreg [dreg:$0x1]  }
0x3: {  	s5 =	rddreg [dreg:$0x2]  }
0x4: {  	s0 =	rddreg [dreg:$0x3];
	s3 =	simm.s32 $0x0;
	s6 =	srdreg.scid  }
0x5: {  	s2 =	stileid.u32;
	s10 =	simm.s32 $0x1080;
	s11 =	simm.s32 $0x1880  }
0x6: {  	s12 =	simm.s32 $0x2080;
	s13 =	simm.s32 $0x2880;
	s14 =	simm.s32 $0x3080  }
0x7: {  	s15 =	simm.s32 $0x3880;
	s16 =	simm.s32 $0x4080;
	s17 =	simm.s32 $0x4880  }
0x8: {  	s18 =	simm.s32 $0x5080;
	s19 =	simm.s32 $0x5880;
	s20 =	simm.s32 $0x6080  }
0x9: {  	s21 =	simm.s32 $0x6880;
	s22 =	simm.s32 $0x7080;
	s23 =	simm.s32 $0x7880  }
0xa: {  	s24 =	simm.s32 $0x1;
	[smem:$0x7FF] =	sst s3;
	s6 =	sand.u32 $0x1, s6  }
0xb: {  	s8 =	sshll.u32 s2, $0x8;
	s7 =	ssub.s32 $0x2, s6;
	s6 =	sshll.u32 s6, $0x7  }
0xc: {  	_ =	strace $0x8000004A;
	s9 =	sshrl.u32 s7, $0x1;
	s6 =	sor.u32 s6, s8  }
0xd: {  	v2 =	vlaneseq.u32;
	s7 =	ssub.s32 s7, s9;
	s8 =	sshrl.u32 s6, $0x3;
	s6 =	sshll.u32 s6, $0x5  }
0xe: {  	vm0 =	vmmov $0xffff;
	v1 =	vshrl.u32 v2, $0x3;
	s9 =	simm.s32 $0x880;
	s4 =	sadd.s32 s4, s8;
	s5 =	sadd.s32 s5, s6  }
0xf: {  	v0 =	vand.u32 $0x7, v2;
	v2 =	vor.u32 $0x8, v2;
	v1 =	vmul.u32 $0x8, v1;
	s6 =	smax.u32 s7, $0x1;
	s7 =	simm.s32 $0x2;
	s8 =	simm.s32 $0x80  }
.LBB2_1:
0x10: {  	[tilespmem:s3], [sflag:$0x2] =	stream.linear.gather [hbm4b:s4+s3], $0x80, $0x38;
	[tilespmem:$0x8080] =	vst v63  }
0x11: {  	_ =	swait.ge [sflag:s7], $0x80  }
0x12: {  	[sflag:s7] =	ssyncset.done $0x0  }
0x13: {  	[sflag:s7] =	ssyncadd.s32 $0xFFFFFF80  }
0x14: {  	v3 =	vld [tilespmem:$0x0];
	_ =	sdelay $0x4  }
0x15: {  	v4 =	vshll.u32 v3, $0x1  }
0x16: {  	v3 =	vand.u32 $0x7, v3;
	v4 =	vand.u32 $0xFFFFFFF0, v4  }
0x17: {  	v3 =	vor.u32 v3, v4  }
0x18: {  	v4 =	vperm.xlane v3, v0;
	_ =	sdelay $0x1  }
0x19: {  	v3 =	vperm.xlane v3, v2;
	v4 =	vadd.s32 v1, v4;
	_ =	sdelay $0x1  }
0x1a: {  	v3 =	vadd.s32 v1, v3;
	_ =	sdelay $0x2  }
0x1b: {  	[tilespmem:s8], [sflag:$0x1] =	stream.indirect_vreg.gather [hbm4b:s1+s3], $0x80, v4, vm0, $0xb8;
	[tilespmem:$0x8080] =	vst v63  }
0x1c: {  	_ = 	snop  }
0x1d: {  	[tilespmem:s9], [sflag:$0x1] =	stream.indirect_vreg.gather [hbm4b:s1+s3], $0x80, v3, vm0, $0xb8;
	[tilespmem:$0x8080] =	vst v63  }
0x1e: {  	v3 =	vld [tilespmem:$0x10];
	_ =	sdelay $0x4  }
0x1f: {  	v57 =	vshll.u32 v3, $0x1  }
0x20: {  	v3 =	vand.u32 $0x7, v3;
	v4 =	vand.u32 $0xFFFFFFF0, v57  }
0x21: {  	v3 =	vor.u32 v3, v4  }
0x22: {  	v4 =	vperm.xlane v3, v0;
	_ =	sdelay $0x1  }
0x23: {  	v3 =	vperm.xlane v3, v2;
	v4 =	vadd.s32 v1, v4;
	_ =	sdelay $0x1  }
0x24: {  	v3 =	vadd.s32 v1, v3;
	_ =	sdelay $0x2  }
0x25: {  	[tilespmem:s10], [sflag:$0x1] =	stream.indirect_vreg.gather [hbm4b:s1+s3], $0x80, v4, vm0, $0xb8;
	[tilespmem:$0x8080] =	vst v63  }
0x26: {  	_ = 	snop  }
0x27: {  	[tilespmem:s11], [sflag:$0x1] =	stream.indirect_vreg.gather [hbm4b:s1+s3], $0x80, v3, vm0, $0xb8;
	[tilespmem:$0x8080] =	vst v63  }
0x28: {  	v3 =	vld [tilespmem:$0x20];
	_ =	sdelay $0x4  }
0x29: {  	v58 =	vshll.u32 v3, $0x1  }
0x2a: {  	v3 =	vand.u32 $0x7, v3;
	v4 =	vand.u32 $0xFFFFFFF0, v58  }
0x2b: {  	v3 =	vor.u32 v3, v4  }
0x2c: {  	v4 =	vperm.xlane v3, v0;
	_ =	sdelay $0x1  }
0x2d: {  	v3 =	vperm.xlane v3, v2;
	v4 =	vadd.s32 v1, v4;
	_ =	sdelay $0x1  }
0x2e: {  	v3 =	vadd.s32 v1, v3;
	_ =	sdelay $0x2  }
0x2f: {  	[tilespmem:s12], [sflag:$0x1] =	stream.indirect_vreg.gather [hbm4b:s1+s3], $0x80, v4, vm0, $0xb8;
	[tilespmem:$0x8080] =	vst v63  }
0x30: {  	_ = 	snop  }
0x31: {  	[tilespmem:s13], [sflag:$0x1] =	stream.indirect_vreg.gather [hbm4b:s1+s3], $0x80, v3, vm0, $0xb8;
	[tilespmem:$0x8080] =	vst v63  }
0x32: {  	v3 =	vld [tilespmem:$0x30];
	_ =	sdelay $0x4  }
0x33: {  	v59 =	vshll.u32 v3, $0x1  }
0x34: {  	v3 =	vand.u32 $0x7, v3;
	v4 =	vand.u32 $0xFFFFFFF0, v59  }
0x35: {  	v3 =	vor.u32 v3, v4  }
0x36: {  	v4 =	vperm.xlane v3, v0;
	_ =	sdelay $0x1  }
0x37: {  	v3 =	vperm.xlane v3, v2;
	v4 =	vadd.s32 v1, v4;
	_ =	sdelay $0x1  }
0x38: {  	v3 =	vadd.s32 v1, v3;
	_ =	sdelay $0x2  }
0x39: {  	[tilespmem:s14], [sflag:$0x1] =	stream.indirect_vreg.gather [hbm4b:s1+s3], $0x80, v4, vm0, $0xb8;
	[tilespmem:$0x8080] =	vst v63  }
0x3a: {  	_ = 	snop  }
0x3b: {  	[tilespmem:s15], [sflag:$0x1] =	stream.indirect_vreg.gather [hbm4b:s1+s3], $0x80, v3, vm0, $0xb8;
	[tilespmem:$0x8080] =	vst v63  }
0x3c: {  	v3 =	vld [tilespmem:$0x40];
	_ =	sdelay $0x4  }
0x3d: {  	v60 =	vshll.u32 v3, $0x1  }
0x3e: {  	v3 =	vand.u32 $0x7, v3;
	v4 =	vand.u32 $0xFFFFFFF0, v60  }
0x3f: {  	v3 =	vor.u32 v3, v4  }
0x40: {  	v4 =	vperm.xlane v3, v0;
	_ =	sdelay $0x1  }
0x41: {  	v3 =	vperm.xlane v3, v2;
	v4 =	vadd.s32 v1, v4;
	_ =	sdelay $0x1  }
0x42: {  	v3 =	vadd.s32 v1, v3;
	_ =	sdelay $0x2  }
0x43: {  	[tilespmem:s16], [sflag:$0x1] =	stream.indirect_vreg.gather [hbm4b:s1+s3], $0x80, v4, vm0, $0xb8;
	[tilespmem:$0x8080] =	vst v63  }
0x44: {  	_ = 	snop  }
0x45: {  	[tilespmem:s17], [sflag:$0x1] =	stream.indirect_vreg.gather [hbm4b:s1+s3], $0x80, v3, vm0, $0xb8;
	[tilespmem:$0x8080] =	vst v63  }
0x46: {  	v3 =	vld [tilespmem:$0x50];
	_ =	sdelay $0x4  }
0x47: {  	v61 =	vshll.u32 v3, $0x1  }
0x48: {  	v3 =	vand.u32 $0x7, v3;
	v4 =	vand.u32 $0xFFFFFFF0, v61  }
0x49: {  	v3 =	vor.u32 v3, v4  }
0x4a: {  	v4 =	vperm.xlane v3, v0;
	_ =	sdelay $0x1  }
0x4b: {  	v3 =	vperm.xlane v3, v2;
	v4 =	vadd.s32 v1, v4;
	_ =	sdelay $0x1  }
0x4c: {  	v3 =	vadd.s32 v1, v3;
	_ =	sdelay $0x2  }
0x4d: {  	[tilespmem:s18], [sflag:$0x1] =	stream.indirect_vreg.gather [hbm4b:s1+s3], $0x80, v4, vm0, $0xb8;
	[tilespmem:$0x8080] =	vst v63  }
0x4e: {  	_ = 	snop  }
0x4f: {  	[tilespmem:s19], [sflag:$0x1] =	stream.indirect_vreg.gather [hbm4b:s1+s3], $0x80, v3, vm0, $0xb8;
	[tilespmem:$0x8080] =	vst v63  }
0x50: {  	v3 =	vld [tilespmem:$0x60];
	_ =	sdelay $0x4  }
0x51: {  	v62 =	vshll.u32 v3, $0x1  }
0x52: {  	v3 =	vand.u32 $0x7, v3;
	v4 =	vand.u32 $0xFFFFFFF0, v62  }
0x53: {  	v3 =	vor.u32 v3, v4  }
0x54: {  	v4 =	vperm.xlane v3, v0;
	_ =	sdelay $0x1  }
0x55: {  	v3 =	vperm.xlane v3, v2;
	v4 =	vadd.s32 v1, v4;
	_ =	sdelay $0x1  }
0x56: {  	v3 =	vadd.s32 v1, v3;
	_ =	sdelay $0x2  }
0x57: {  	[tilespmem:s20], [sflag:$0x1] =	stream.indirect_vreg.gather [hbm4b:s1+s3], $0x80, v4, vm0, $0xb8;
	[tilespmem:$0x8080] =	vst v63  }
0x58: {  	_ = 	snop  }
0x59: {  	[tilespmem:s21], [sflag:$0x1] =	stream.indirect_vreg.gather [hbm4b:s1+s3], $0x80, v3, vm0, $0xb8;
	[tilespmem:$0x8080] =	vst v63  }
0x5a: {  	v3 =	vld [tilespmem:$0x70];
	_ =	sdelay $0x4  }
0x5b: {  	v63 =	vshll.u32 v3, $0x1  }
0x5c: {  	v3 =	vand.u32 $0x7, v3;
	v4 =	vand.u32 $0xFFFFFFF0, v63  }
0x5d: {  	v3 =	vor.u32 v3, v4  }
0x5e: {  	v4 =	vperm.xlane v3, v0;
	_ =	sdelay $0x1  }
0x5f: {  	v3 =	vperm.xlane v3, v2;
	v4 =	vadd.s32 v1, v4;
	_ =	sdelay $0x1  }
0x60: {  	v3 =	vadd.s32 v1, v3;
	_ =	sdelay $0x2  }
0x61: {  	[tilespmem:s22], [sflag:$0x1] =	stream.indirect_vreg.gather [hbm4b:s1+s3], $0x80, v4, vm0, $0xb8;
	[tilespmem:$0x8080] =	vst v63  }
0x62: {  	_ = 	snop  }
0x63: {  	[tilespmem:s23], [sflag:$0x1] =	stream.indirect_vreg.gather [hbm4b:s1+s3], $0x80, v3, vm0, $0xb8;
	[tilespmem:$0x8080] =	vst v63  }
0x64: {  	_ =	swait.ge [sflag:s24], $0x8000  }
0x65: {  	p0 =	sne.s32 s6, $0x1;
	[sflag:s24] =	ssyncset.done $0x0  }
.Ltmp0:
0x66: {  	[sflag:s24] =	ssyncadd.s32 $0xFFFF8000;
	(pc) =	sbr.rel @p0 .LBB2_1-.Ltmp0, $4  }
0x67: {  	[hbm4b:s5+s3] =	stream.linear.scatter [tilespmem:s8], [sflag:$0x2], $0x8000, $0x38;
	[tilespmem:$0x8080] =	vst v63  }
0x68: {  	_ =	swait.ge [sflag:s7], $0x8000  }
0x69: {  	[sflag:s7] =	ssyncset.done $0x0  }
0x6a: {  	s6 =	sadd.s32 $0xFFFFFFFF, s6;
	[sflag:s7] =	ssyncadd.s32 $0xFFFF8000  }
0x6b: {  	_ =	sfence.sel $0x180000  }
0x6c: {  	[bflag:$0x0] =	sbarrier.arrive $0xFFFF  }
0x6d: {  	p0 =	sne.s32 s2, $0x0;
	_ =	strace $0x9000004A  }
0x6e: {  	s0 =	sadd.s32 @!p0 $0x100000, s0;
	[bflag:$0x2] =	sbarrier.arrive $0xFFFF  }
0x6f: {  	[sflag:s0] =	ssyncadd.tile.s32 @!p0 $0x1;
	_ =	shalt  }
.Lfunc_end2:
_tile_overlayer_lowered:
.L_overlay_start_2:
0x70: {  	(tag) =	ssettag $0x2  }
0x71: {  	s0 =	rddreg [dreg:$0x0];
	s2 =	stileid.u32  }
0x72: {  	s1 =	rddreg [dreg:$0x1];
	p0 =	sne.s32 s2, $0x0  }
0x73: {  	s3 =	rddreg [dreg:$0x2];
	[bflag:$0x3] =	sbarrier.arrive $0xFFFF;
	s2 =	simm.s32 @!p0 $0x1C02  }
0x74: {  	[timem:s3], [sflag:s2] =	dma.local @!p0 [hbm:s0], s1  }
0x75: {  	s0 =	simm.s32 @!p0 $0x2  }
0x76: {  	_ =	swait.ge @!p0 [sflag:s0], s1  }
0x77: {  	s1 =	ssub.s32 @!p0 $0x0, s1;
	[sflag:s0] =	ssyncset.done @!p0 $0x0  }
0x78: {  	[sflag:s0] =	ssyncadd.s32 @!p0 s1  }
0x79: {  	[bflag:$0x3] =	sbarrier.arrive $0xFFFF  }
0x7a: {  	_ =	shalt  }

</sc_bundles>
